<compile_context>
chip_gen: v7x
topology: tpu7x:2x2x1
jax: 0.10.2.dev20260603
libtpu: 0.0.44.dev20260713+nightly
codegen_flags: <defaults>
</compile_context>

<pallas_src>
import functools
import math

import jax
import jax.numpy as jnp
from jax import lax
from jax.experimental import pallas as pl
from jax.experimental.pallas import tpu as pltpu
from jax.experimental.pallas import tpu_sc as plsc

N_NODES = 19
WINDOW = 100
STRIDE = 50


def _sc_win_kernel(xflat, out, inb0, inb1, outb0, outb1, isem0, isem1,
                   osem0, osem1, *, B, T):
    N = N_NODES
    W = (T - WINDOW) // STRIDE + 1
    SN = STRIDE * N
    TOTAL = B * T * N
    CW = 8
    RWS = CW * N
    NCHUNK = (B * W) // CW
    NWK = 32
    NI = -(-NCHUNK // NWK)
    assert NI % 2 == 0
    ILEN = inb0.shape[0]
    CLAMP = TOTAL - ILEN
    slots = ((inb0, outb0, isem0, osem0), (inb1, outb1, isem1, osem1))

    wid = lax.axis_index("s") * 2 + lax.axis_index("c")

    def chunk_src(c):
        gw0 = c * CW
        q = gw0 // W
        s0 = q * (T * N) + (gw0 - q * W) * SN
        s8 = pl.multiple_of(jnp.minimum(s0 - lax.rem(s0, 8), CLAMP), 8)
        return gw0, s8

    def copy_in(c, sl):
        _, s8 = chunk_src(c)
        return pltpu.make_async_copy(
            xflat.at[pl.ds(s8, ILEN)], slots[sl][0], slots[sl][2]
        )

    def copy_out(c, sl):
        return pltpu.make_async_copy(
            slots[sl][1], out.at[pl.ds(c * RWS, RWS)], slots[sl][3]
        )

    cols = (0, 16, 32, 48, 64, 80, WINDOW - 16)
    lane = lax.iota(jnp.int32, 16)
    gvecs = [lane * N + c * N for c in cols]

    copy_in(wid, 0).start()
    copy_in(wid + NWK, 1).start()

    def unit(i, carry):
        for sl in range(2):
            u = 2 * i + sl
            c = wid + u * NWK
            live = c < NCHUNK
            src, dst = slots[sl][0], slots[sl][1]

            @pl.when(live)
            def _():
                copy_in(c, sl).wait()

            @pl.when((u >= 2) & live)
            def _():
                copy_out(c - 2 * NWK, sl).wait()

            gw0, s8 = chunk_src(c)

            def row_body(r, rcarry, gw0=gw0, s8=s8, src=src, dst=dst):
                wloc = r // N
                n = r - wloc * N
                gwr = gw0 + wloc
                qr = gwr // W
                sr = qr * (T * N) + (gwr - qr * W) * SN
                base = sr - s8 + n
                for g in range(len(cols)):
                    dst[r, pl.ds(cols[g], 16)] = plsc.load_gather(
                        src, [gvecs[g] + base]
                    )
                return rcarry

            @pl.when(live)
            def _():
                lax.fori_loop(0, RWS, row_body, 0, unroll=2)
                copy_out(c, sl).start()

            @pl.when(c + 2 * NWK < NCHUNK)
            def _():
                copy_in(c + 2 * NWK, sl).start()

        return carry

    lax.fori_loop(0, NI // 2, unit, 0)

    for k in range(2):
        tail = wid + (NI - 2 + k) * NWK

        @pl.when(tail < NCHUNK)
        def _(tail=tail, k=k):
            copy_out(tail, (NI - 2 + k) % 2).wait()


def _edge_kernel(pre_ref, ewrep_ref, eib_ref, ewb_ref, goff: int):
    j = pl.program_id(0)
    eib_ref[...] = pre_ref[...] + j * goff
    ewb_ref[...] = ewrep_ref[...]


def _bv_kernel(bv_ref):
    r = jax.lax.broadcasted_iota(jnp.int32, bv_ref.shape, 0)
    bv_ref[...] = r // N_NODES


def kernel(x, edge_index, edge_weight):
    B, T, N = x.shape
    W = (T - WINDOW) // STRIDE + 1
    G = B * W
    E = edge_index.shape[1]

    xflat = x.reshape(B * T * N)
    mesh = plsc.VectorSubcoreMesh(core_axis_name="c", subcore_axis_name="s")
    CW = 8
    span = CW * STRIDE * N + WINDOW * N
    ILEN = -(-(span + 8) // 8) * 8
    sc_win = pl.kernel(
        functools.partial(_sc_win_kernel, B=B, T=T),
        mesh=mesh,
        compiler_params=pltpu.CompilerParams(needs_layout_passes=False),
        out_type=jax.ShapeDtypeStruct((G * N, WINDOW), jnp.float32),
        scratch_types=[
            pltpu.VMEM((ILEN,), jnp.float32),
            pltpu.VMEM((ILEN,), jnp.float32),
            pltpu.VMEM((CW * N, WINDOW), jnp.float32),
            pltpu.VMEM((CW * N, WINDOW), jnp.float32),
            pltpu.SemaphoreType.DMA,
            pltpu.SemaphoreType.DMA,
            pltpu.SemaphoreType.DMA,
            pltpu.SemaphoreType.DMA,
        ],
    )
    x_batched = sc_win(xflat)

    ei = edge_index.astype(jnp.int32)
    CE = G * E
    lcm = (E * 1024) // math.gcd(E, 1024)
    gstep = lcm // E
    CB = lcm
    nblk = -(-CE // CB)
    col = jnp.arange(CB, dtype=jnp.int32)
    pre = jnp.tile(ei, (1, gstep)) + (col // E * N)[None, :]
    ewrep = jnp.tile(edge_weight, gstep)

    ei_b, ew_b = pl.pallas_call(
        lambda p, w, o1, o2: _edge_kernel(p, w, o1, o2, gstep * N),
        grid=(nblk,),
        in_specs=[
            pl.BlockSpec((2, CB), lambda j: (0, 0)),
            pl.BlockSpec((CB,), lambda j: (0,)),
        ],
        out_specs=[
            pl.BlockSpec((2, CB), lambda j: (0, j)),
            pl.BlockSpec((CB,), lambda j: (j,)),
        ],
        out_shape=[
            jax.ShapeDtypeStruct((2, CE), jnp.int32),
            jax.ShapeDtypeStruct((CE,), jnp.float32),
        ],
    )(pre, ewrep)

    batch_vec = pl.pallas_call(
        _bv_kernel,
        out_shape=jax.ShapeDtypeStruct((G * N,), jnp.int32),
    )()

    return x_batched, ei_b, ew_b, batch_vec

# --- scband reference (transcript-rebuilt; emitter-appended) ---
"""Pipeline reference for scband-distance-graph-builder-7584912245369 (READ-ONLY COPY).

The authoritative reference and input builder live on the scoring server;
editing this copy changes nothing except your own understanding.
"""

import jax, jax.numpy as jnp
import numpy as np

N_NODES = 19
WINDOW = 100
STRIDE = 50
THRESH = 0.6


def _build_graph():
    # Stand-in for the distance CSV: deterministic symmetric distance matrix
    # over the 19 EEG channels, thresholded exactly like the torch module.
    rng = np.random.default_rng(0)
    dist = rng.uniform(0.0, 1.0, (N_NODES, N_NODES)).astype(np.float32)
    dist = (dist + dist.T) / 2.0
    mask = dist <= THRESH
    np.fill_diagonal(mask, False)
    src, dst = np.nonzero(mask)
    edge_index = np.stack([src, dst]).astype(np.int64)
    # dense_to_sparse on the 0/1 float adjacency -> all edge weights are 1.0
    edge_weight = np.ones(edge_index.shape[1], dtype=np.float32)
    return edge_index, edge_weight


def setup_inputs(seed: int = 0) -> dict:
    key = jax.random.key(seed)
    x = jax.random.normal(key, (64, 10000, N_NODES), dtype=jnp.float32)
    ei, ew = _build_graph()
    return {"x": x, "edge_index": jnp.asarray(ei), "edge_weight": jnp.asarray(ew)}


def reference(x, edge_index, edge_weight):
    # prepare_node_features with use_windows=True:
    # (B, T, N) -> permute (B, N, T) -> unfold time dim -> (B, W, N, WINDOW)
    B, T, N = x.shape
    W = (T - WINDOW) // STRIDE + 1
    starts = jnp.arange(W) * STRIDE
    idx = starts[:, None] + jnp.arange(WINDOW)  # (W, WINDOW)
    xp = jnp.transpose(x, (0, 2, 1))            # (B, N, T)
    wins = jnp.take(xp, idx, axis=2)            # (B, N, W, WINDOW)
    wins = jnp.transpose(wins, (0, 2, 1, 3))    # (B, W, N, WINDOW)
    G = B * W
    # Batch.from_data_list: concat node feats, offset edge_index per graph,
    # tile edge_attr, build batch assignment vector.
    x_batched = wins.reshape(G * N, WINDOW)
    offsets = jnp.arange(G) * N
    E = edge_index.shape[1]
    ei_b = edge_index[None, :, :] + offsets[:, None, None]  # (G, 2, E)
    ei_b = jnp.transpose(ei_b, (1, 0, 2)).reshape(2, G * E)
    ew_b = jnp.tile(edge_weight, G)
    batch_vec = jnp.repeat(jnp.arange(G), N)
    return x_batched, ei_b, ew_b, batch_vec

if __name__ == "__main__":
    import jax
    _d = setup_inputs()
    print(jax.jit(kernel)(*tuple(_d.values())))

</pallas_src>

<mosaic_0001>
#map = affine_map<(d0, d1) -> (0)>
#map1 = affine_map<(d0, d1) -> (0, 0)>
module attributes {stable_mosaic.version = 14 : i64} {
  func.func @_sc_win_kernel(%arg0: i32, %arg1: i32, %arg2: memref<12160000xf32, #tpu.memory_space<hbm>>, %arg3: memref<241984x100xf32, #tpu.memory_space<hbm>>, %arg4: memref<9512xf32, #tpu.memory_space<vmem>>, %arg5: memref<9512xf32, #tpu.memory_space<vmem>>, %arg6: memref<152x100xf32, #tpu.memory_space<vmem>>, %arg7: memref<152x100xf32, #tpu.memory_space<vmem>>, %arg8: memref<!tpu.dma_semaphore, #tpu.memory_space<semaphore_mem>>, %arg9: memref<!tpu.dma_semaphore, #tpu.memory_space<semaphore_mem>>, %arg10: memref<!tpu.dma_semaphore, #tpu.memory_space<semaphore_mem>>, %arg11: memref<!tpu.dma_semaphore, #tpu.memory_space<semaphore_mem>>) attributes {dimension_semantics = [#tpu.dimension_semantics<core_parallel>, #tpu.dimension_semantics<subcore_parallel>], iteration_bounds = array<i64: 2, 16>, scalar_prefetch = 0 : i64, scratch_operands = 8 : i64, tpu.core_type = #tpu.core_type<sc_vector_subcore>, window_params = [{transform_indices = #map}, {transform_indices = #map1}]} {
    %mul3A = arith.constant 2 : i32
    %mul3A_0 = arith.muli %arg1, %mul3A : i32
    %add3A = arith.addi %mul3A_0, %arg0 : i32
    %iota3A = tpu.iota {dimensions = array<i32: 0>} : vector<16xi32>
    %mul3A_1 = arith.constant 19 : i32
    %mul3A_2 = vector.broadcast %mul3A_1 : i32 to vector<16xi32>
    %mul3A_3 = arith.muli %iota3A, %mul3A_2 : vector<16xi32>
    %add3A_4 = arith.constant 0 : i32
    %add3A_5 = vector.broadcast %add3A_4 : i32 to vector<16xi32>
    %add3A_6 = arith.addi %mul3A_3, %add3A_5 : vector<16xi32>
    %mul3A_7 = arith.constant 19 : i32
    %mul3A_8 = vector.broadcast %mul3A_7 : i32 to vector<16xi32>
    %mul3A_9 = arith.muli %iota3A, %mul3A_8 : vector<16xi32>
    %add3A_10 = arith.constant 304 : i32
    %add3A_11 = vector.broadcast %add3A_10 : i32 to vector<16xi32>
    %add3A_12 = arith.addi %mul3A_9, %add3A_11 : vector<16xi32>
    %mul3A_13 = arith.constant 19 : i32
    %mul3A_14 = vector.broadcast %mul3A_13 : i32 to vector<16xi32>
    %mul3A_15 = arith.muli %iota3A, %mul3A_14 : vector<16xi32>
    %add3A_16 = arith.constant 608 : i32
    %add3A_17 = vector.broadcast %add3A_16 : i32 to vector<16xi32>
    %add3A_18 = arith.addi %mul3A_15, %add3A_17 : vector<16xi32>
    %mul3A_19 = arith.constant 19 : i32
    %mul3A_20 = vector.broadcast %mul3A_19 : i32 to vector<16xi32>
    %mul3A_21 = arith.muli %iota3A, %mul3A_20 : vector<16xi32>
    %add3A_22 = arith.constant 912 : i32
    %add3A_23 = vector.broadcast %add3A_22 : i32 to vector<16xi32>
    %add3A_24 = arith.addi %mul3A_21, %add3A_23 : vector<16xi32>
    %mul3A_25 = arith.constant 19 : i32
    %mul3A_26 = vector.broadcast %mul3A_25 : i32 to vector<16xi32>
    %mul3A_27 = arith.muli %iota3A, %mul3A_26 : vector<16xi32>
    %add3A_28 = arith.constant 1216 : i32
    %add3A_29 = vector.broadcast %add3A_28 : i32 to vector<16xi32>
    %add3A_30 = arith.addi %mul3A_27, %add3A_29 : vector<16xi32>
    %mul3A_31 = arith.constant 19 : i32
    %mul3A_32 = vector.broadcast %mul3A_31 : i32 to vector<16xi32>
    %mul3A_33 = arith.muli %iota3A, %mul3A_32 : vector<16xi32>
    %add3A_34 = arith.constant 1520 : i32
    %add3A_35 = vector.broadcast %add3A_34 : i32 to vector<16xi32>
    %add3A_36 = arith.addi %mul3A_33, %add3A_35 : vector<16xi32>
    %mul3A_37 = arith.constant 19 : i32
    %mul3A_38 = vector.broadcast %mul3A_37 : i32 to vector<16xi32>
    %mul3A_39 = arith.muli %iota3A, %mul3A_38 : vector<16xi32>
    %add3A_40 = arith.constant 1596 : i32
    %add3A_41 = vector.broadcast %add3A_40 : i32 to vector<16xi32>
    %add3A_42 = arith.addi %mul3A_39, %add3A_41 : vector<16xi32>
    %mul3A_43 = arith.constant 8 : i32
    %mul3A_44 = arith.muli %add3A, %mul3A_43 : i32
    %jit3A = arith.constant 199 : i32
    %div3A = arith.divsi %mul3A_44, %jit3A : i32
    %sign3A = arith.constant 0 : i32
    %sign3A_45 = arith.cmpi sgt, %mul3A_44, %sign3A : i32
    %sign3A_46 = arith.extui %sign3A_45 : i1 to i32
    %sign3A_47 = arith.constant 0 : i32
    %sign3A_48 = arith.cmpi slt, %mul3A_44, %sign3A_47 : i32
    %sign3A_49 = arith.extui %sign3A_48 : i1 to i32
    %sign3A_50 = arith.subi %sign3A_46, %sign3A_49 : i32
    %sign3A_51 = arith.constant 0 : i32
    %sign3A_52 = arith.cmpi sgt, %jit3A, %sign3A_51 : i32
    %sign3A_53 = arith.extui %sign3A_52 : i1 to i32
    %sign3A_54 = arith.constant 0 : i32
    %sign3A_55 = arith.cmpi slt, %jit3A, %sign3A_54 : i32
    %sign3A_56 = arith.extui %sign3A_55 : i1 to i32
    %sign3A_57 = arith.subi %sign3A_53, %sign3A_56 : i32
    %ne3A = arith.cmpi ne, %sign3A_50, %sign3A_57 : i32
    %rem3A = arith.remsi %mul3A_44, %jit3A : i32
    %ne3A_58 = arith.constant 0 : i32
    %ne3A_59 = arith.cmpi ne, %rem3A, %ne3A_58 : i32
    %and3A = arith.andi %ne3A, %ne3A_59 : i1
    %sub3A = arith.constant 1 : i32
    %sub3A_60 = arith.subi %div3A, %sub3A : i32
    %select_n3A = arith.select %and3A, %sub3A_60, %div3A : i32
    %mul3A_61 = arith.constant 190000 : i32
    %mul3A_62 = arith.muli %select_n3A, %mul3A_61 : i32
    %mul3A_63 = arith.constant 199 : i32
    %mul3A_64 = arith.muli %select_n3A, %mul3A_63 : i32
    %sub3A_65 = arith.subi %mul3A_44, %mul3A_64 : i32
    %mul3A_66 = arith.constant 950 : i32
    %mul3A_67 = arith.muli %sub3A_65, %mul3A_66 : i32
    %add3A_68 = arith.addi %mul3A_62, %mul3A_67 : i32
    %rem3A_69 = arith.constant 8 : i32
    %rem3A_70 = arith.remsi %add3A_68, %rem3A_69 : i32
    %sub3A_71 = arith.subi %add3A_68, %rem3A_70 : i32
    %min3A = arith.constant 12150488 : i32
    %min3A_72 = arith.minsi %sub3A_71, %min3A : i32
    %multiple_of3A = tpu.assume_multiple %min3A_72, 8 : i32
    %dma_start3A = tpu.memref_slice %arg2[%multiple_of3A] : memref<12160000xf32, #tpu.memory_space<hbm>> -> memref<9512xf32, #tpu.memory_space<hbm>>
    %dma_start3A_73 = tpu.memref_slice %arg2[%multiple_of3A] : memref<12160000xf32, #tpu.memory_space<hbm>> -> memref<9512xf32, #tpu.memory_space<hbm>>
    tpu.enqueue_dma source(%dma_start3A_73 : memref<9512xf32, #tpu.memory_space<hbm>>) target(%arg4 : memref<9512xf32, #tpu.memory_space<vmem>>) target_semaphore(%arg8 : memref<!tpu.dma_semaphore, #tpu.memory_space<semaphore_mem>>)
    %add3A_74 = arith.constant 32 : i32
    %add3A_75 = arith.addi %add3A, %add3A_74 : i32
    %mul3A_76 = arith.constant 8 : i32
    %mul3A_77 = arith.muli %add3A_75, %mul3A_76 : i32
    %jit3A_78 = arith.constant 199 : i32
    %div3A_79 = arith.divsi %mul3A_77, %jit3A_78 : i32
    %sign3A_80 = arith.constant 0 : i32
    %sign3A_81 = arith.cmpi sgt, %mul3A_77, %sign3A_80 : i32
    %sign3A_82 = arith.extui %sign3A_81 : i1 to i32
    %sign3A_83 = arith.constant 0 : i32
    %sign3A_84 = arith.cmpi slt, %mul3A_77, %sign3A_83 : i32
    %sign3A_85 = arith.extui %sign3A_84 : i1 to i32
    %sign3A_86 = arith.subi %sign3A_82, %sign3A_85 : i32
    %sign3A_87 = arith.constant 0 : i32
    %sign3A_88 = arith.cmpi sgt, %jit3A_78, %sign3A_87 : i32
    %sign3A_89 = arith.extui %sign3A_88 : i1 to i32
    %sign3A_90 = arith.constant 0 : i32
    %sign3A_91 = arith.cmpi slt, %jit3A_78, %sign3A_90 : i32
    %sign3A_92 = arith.extui %sign3A_91 : i1 to i32
    %sign3A_93 = arith.subi %sign3A_89, %sign3A_92 : i32
    %ne3A_94 = arith.cmpi ne, %sign3A_86, %sign3A_93 : i32
    %rem3A_95 = arith.remsi %mul3A_77, %jit3A_78 : i32
    %ne3A_96 = arith.constant 0 : i32
    %ne3A_97 = arith.cmpi ne, %rem3A_95, %ne3A_96 : i32
    %and3A_98 = arith.andi %ne3A_94, %ne3A_97 : i1
    %sub3A_99 = arith.constant 1 : i32
    %sub3A_100 = arith.subi %div3A_79, %sub3A_99 : i32
    %select_n3A_101 = arith.select %and3A_98, %sub3A_100, %div3A_79 : i32
    %mul3A_102 = arith.constant 190000 : i32
    %mul3A_103 = arith.muli %select_n3A_101, %mul3A_102 : i32
    %mul3A_104 = arith.constant 199 : i32
    %mul3A_105 = arith.muli %select_n3A_101, %mul3A_104 : i32
    %sub3A_106 = arith.subi %mul3A_77, %mul3A_105 : i32
    %mul3A_107 = arith.constant 950 : i32
    %mul3A_108 = arith.muli %sub3A_106, %mul3A_107 : i32
    %add3A_109 = arith.addi %mul3A_103, %mul3A_108 : i32
    %rem3A_110 = arith.constant 8 : i32
    %rem3A_111 = arith.remsi %add3A_109, %rem3A_110 : i32
    %sub3A_112 = arith.subi %add3A_109, %rem3A_111 : i32
    %min3A_113 = arith.constant 12150488 : i32
    %min3A_114 = arith.minsi %sub3A_112, %min3A_113 : i32
    %multiple_of3A_115 = tpu.assume_multiple %min3A_114, 8 : i32
    %dma_start3A_116 = tpu.memref_slice %arg2[%multiple_of3A_115] : memref<12160000xf32, #tpu.memory_space<hbm>> -> memref<9512xf32, #tpu.memory_space<hbm>>
    %dma_start3A_117 = tpu.memref_slice %arg2[%multiple_of3A_115] : memref<12160000xf32, #tpu.memory_space<hbm>> -> memref<9512xf32, #tpu.memory_space<hbm>>
    tpu.enqueue_dma source(%dma_start3A_117 : memref<9512xf32, #tpu.memory_space<hbm>>) target(%arg5 : memref<9512xf32, #tpu.memory_space<vmem>>) target_semaphore(%arg9 : memref<!tpu.dma_semaphore, #tpu.memory_space<semaphore_mem>>)
    %scan3A = arith.constant 0 : i32
    %scan3A_118 = arith.constant 0 : i32
    %scan3A_119 = arith.constant 25 : i32
    %scan3A_120 = arith.addi %scan3A_118, %scan3A_119 : i32
    %scan3A_121 = arith.constant 1 : i32
    scf.for %scan3A_134 = %scan3A_118 to %scan3A_120 step %scan3A_121  : i32 {
      %mul3A_135 = arith.constant 2 : i32
      %mul3A_136 = arith.muli %mul3A_135, %scan3A_134 : i32
      %add3A_137 = arith.constant 0 : i32
      %add3A_138 = arith.addi %mul3A_136, %add3A_137 : i32
      %mul3A_139 = arith.constant 32 : i32
      %mul3A_140 = arith.muli %add3A_138, %mul3A_139 : i32
      %add3A_141 = arith.addi %add3A, %mul3A_140 : i32
      %lt3A_142 = arith.constant 1592 : i32
      %lt3A_143 = arith.cmpi slt, %add3A_141, %lt3A_142 : i32
      %convert_element_type3A_144 = arith.extui %lt3A_143 : i1 to i32
      %cond3A_145 = arith.constant 0 : i32
      %cond3A_146 = arith.cmpi ne, %convert_element_type3A_144, %cond3A_145 : i32
      scf.if %cond3A_146 {
        %mul3A_270 = arith.constant 8 : i32
        %mul3A_271 = arith.muli %add3A_141, %mul3A_270 : i32
        %jit3A_272 = arith.constant 199 : i32
        %div3A_273 = arith.divsi %mul3A_271, %jit3A_272 : i32
        %sign3A_274 = arith.constant 0 : i32
        %sign3A_275 = arith.cmpi sgt, %mul3A_271, %sign3A_274 : i32
        %sign3A_276 = arith.extui %sign3A_275 : i1 to i32
        %sign3A_277 = arith.constant 0 : i32
        %sign3A_278 = arith.cmpi slt, %mul3A_271, %sign3A_277 : i32
        %sign3A_279 = arith.extui %sign3A_278 : i1 to i32
        %sign3A_280 = arith.subi %sign3A_276, %sign3A_279 : i32
        %sign3A_281 = arith.constant 0 : i32
        %sign3A_282 = arith.cmpi sgt, %jit3A_272, %sign3A_281 : i32
        %sign3A_283 = arith.extui %sign3A_282 : i1 to i32
        %sign3A_284 = arith.constant 0 : i32
        %sign3A_285 = arith.cmpi slt, %jit3A_272, %sign3A_284 : i32
        %sign3A_286 = arith.extui %sign3A_285 : i1 to i32
        %sign3A_287 = arith.subi %sign3A_283, %sign3A_286 : i32
        %ne3A_288 = arith.cmpi ne, %sign3A_280, %sign3A_287 : i32
        %rem3A_289 = arith.remsi %mul3A_271, %jit3A_272 : i32
        %ne3A_290 = arith.constant 0 : i32
        %ne3A_291 = arith.cmpi ne, %rem3A_289, %ne3A_290 : i32
        %and3A_292 = arith.andi %ne3A_288, %ne3A_291 : i1
        %sub3A_293 = arith.constant 1 : i32
        %sub3A_294 = arith.subi %div3A_273, %sub3A_293 : i32
        %select_n3A_295 = arith.select %and3A_292, %sub3A_294, %div3A_273 : i32
        %mul3A_296 = arith.constant 190000 : i32
        %mul3A_297 = arith.muli %select_n3A_295, %mul3A_296 : i32
        %mul3A_298 = arith.constant 199 : i32
        %mul3A_299 = arith.muli %select_n3A_295, %mul3A_298 : i32
        %sub3A_300 = arith.subi %mul3A_271, %mul3A_299 : i32
        %mul3A_301 = arith.constant 950 : i32
        %mul3A_302 = arith.muli %sub3A_300, %mul3A_301 : i32
        %add3A_303 = arith.addi %mul3A_297, %mul3A_302 : i32
        %rem3A_304 = arith.constant 8 : i32
        %rem3A_305 = arith.remsi %add3A_303, %rem3A_304 : i32
        %sub3A_306 = arith.subi %add3A_303, %rem3A_305 : i32
        %min3A_307 = arith.constant 12150488 : i32
        %min3A_308 = arith.minsi %sub3A_306, %min3A_307 : i32
        %multiple_of3A_309 = tpu.assume_multiple %min3A_308, 8 : i32
        %dma_wait3A = tpu.memref_slice %arg2[%multiple_of3A_309] : memref<12160000xf32, #tpu.memory_space<hbm>> -> memref<9512xf32, #tpu.memory_space<hbm>>
        %dma_wait3A_310 = tpu.memref_slice %arg2[%multiple_of3A_309] : memref<12160000xf32, #tpu.memory_space<hbm>> -> memref<9512xf32, #tpu.memory_space<hbm>>
        tpu.wait_dma2 semaphore(%arg8 : memref<!tpu.dma_semaphore, #tpu.memory_space<semaphore_mem>>) src(%dma_wait3A_310 : memref<9512xf32, #tpu.memory_space<hbm>>) dst(%arg4 : memref<9512xf32, #tpu.memory_space<vmem>>)
      } else {
      }
      %ge3A = arith.constant 2 : i32
      %ge3A_147 = arith.cmpi sge, %add3A_138, %ge3A : i32
      %and3A_148 = arith.andi %ge3A_147, %lt3A_143 : i1
      %convert_element_type3A_149 = arith.extui %and3A_148 : i1 to i32
      %cond3A_150 = arith.constant 0 : i32
      %cond3A_151 = arith.cmpi ne, %convert_element_type3A_149, %cond3A_150 : i32
      scf.if %cond3A_151 {
        %sub3A_270 = arith.constant 64 : i32
        %sub3A_271 = arith.subi %add3A_141, %sub3A_270 : i32
        %mul3A_272 = arith.constant 152 : i32
        %mul3A_273 = arith.muli %sub3A_271, %mul3A_272 : i32
        %dma_wait3A = arith.constant 0 : i32
        %dma_wait3A_274 = tpu.memref_slice %arg3[%mul3A_273, %dma_wait3A] : memref<241984x100xf32, #tpu.memory_space<hbm>> -> memref<152x100xf32, #tpu.memory_space<hbm>>
        %dma_wait3A_275 = arith.constant 0 : i32
        %dma_wait3A_276 = tpu.memref_slice %arg3[%mul3A_273, %dma_wait3A_275] : memref<241984x100xf32, #tpu.memory_space<hbm>> -> memref<152x100xf32, #tpu.memory_space<hbm>>
        tpu.wait_dma2 semaphore(%arg10 : memref<!tpu.dma_semaphore, #tpu.memory_space<semaphore_mem>>) src(%arg6 : memref<152x100xf32, #tpu.memory_space<vmem>>) dst(%dma_wait3A_276 : memref<152x100xf32, #tpu.memory_space<hbm>>)
      } else {
      }
      %mul3A_152 = arith.constant 8 : i32
      %mul3A_153 = arith.muli %add3A_141, %mul3A_152 : i32
      %jit3A_154 = arith.constant 199 : i32
      %div3A_155 = arith.divsi %mul3A_153, %jit3A_154 : i32
      %sign3A_156 = arith.constant 0 : i32
      %sign3A_157 = arith.cmpi sgt, %mul3A_153, %sign3A_156 : i32
      %sign3A_158 = arith.extui %sign3A_157 : i1 to i32
      %sign3A_159 = arith.constant 0 : i32
      %sign3A_160 = arith.cmpi slt, %mul3A_153, %sign3A_159 : i32
      %sign3A_161 = arith.extui %sign3A_160 : i1 to i32
      %sign3A_162 = arith.subi %sign3A_158, %sign3A_161 : i32
      %sign3A_163 = arith.constant 0 : i32
      %sign3A_164 = arith.cmpi sgt, %jit3A_154, %sign3A_163 : i32
      %sign3A_165 = arith.extui %sign3A_164 : i1 to i32
      %sign3A_166 = arith.constant 0 : i32
      %sign3A_167 = arith.cmpi slt, %jit3A_154, %sign3A_166 : i32
      %sign3A_168 = arith.extui %sign3A_167 : i1 to i32
      %sign3A_169 = arith.subi %sign3A_165, %sign3A_168 : i32
      %ne3A_170 = arith.cmpi ne, %sign3A_162, %sign3A_169 : i32
      %rem3A_171 = arith.remsi %mul3A_153, %jit3A_154 : i32
      %ne3A_172 = arith.constant 0 : i32
      %ne3A_173 = arith.cmpi ne, %rem3A_171, %ne3A_172 : i32
      %and3A_174 = arith.andi %ne3A_170, %ne3A_173 : i1
      %sub3A_175 = arith.constant 1 : i32
      %sub3A_176 = arith.subi %div3A_155, %sub3A_175 : i32
      %select_n3A_177 = arith.select %and3A_174, %sub3A_176, %div3A_155 : i32
      %mul3A_178 = arith.constant 190000 : i32
      %mul3A_179 = arith.muli %select_n3A_177, %mul3A_178 : i32
      %mul3A_180 = arith.constant 199 : i32
      %mul3A_181 = arith.muli %select_n3A_177, %mul3A_180 : i32
      %sub3A_182 = arith.subi %mul3A_153, %mul3A_181 : i32
      %mul3A_183 = arith.constant 950 : i32
      %mul3A_184 = arith.muli %sub3A_182, %mul3A_183 : i32
      %add3A_185 = arith.addi %mul3A_179, %mul3A_184 : i32
      %rem3A_186 = arith.constant 8 : i32
      %rem3A_187 = arith.remsi %add3A_185, %rem3A_186 : i32
      %sub3A_188 = arith.subi %add3A_185, %rem3A_187 : i32
      %min3A_189 = arith.constant 12150488 : i32
      %min3A_190 = arith.minsi %sub3A_188, %min3A_189 : i32
      %multiple_of3A_191 = tpu.assume_multiple %min3A_190, 8 : i32
      %convert_element_type3A_192 = arith.extui %lt3A_143 : i1 to i32
      %cond3A_193 = arith.constant 0 : i32
      %cond3A_194 = arith.cmpi ne, %convert_element_type3A_192, %cond3A_193 : i32
      scf.if %cond3A_194 {
        %scan3A_270 = arith.constant 0 : i32
        %scan3A_271 = arith.constant 0 : i32
        %scan3A_272 = arith.constant 152 : i32
        %scan3A_273 = arith.addi %scan3A_271, %scan3A_272 : i32
        %scan3A_274 = arith.constant 2 : i32
        scf.for %scan3A_282 = %scan3A_271 to %scan3A_273 step %scan3A_274  : i32 {
          %jit3A_283 = arith.constant 19 : i32
          %div3A_284 = arith.divsi %scan3A_282, %jit3A_283 : i32
          %sign3A_285 = arith.constant 0 : i32
          %sign3A_286 = arith.cmpi sgt, %scan3A_282, %sign3A_285 : i32
          %sign3A_287 = arith.extui %sign3A_286 : i1 to i32
          %sign3A_288 = arith.constant 0 : i32
          %sign3A_289 = arith.cmpi slt, %scan3A_282, %sign3A_288 : i32
          %sign3A_290 = arith.extui %sign3A_289 : i1 to i32
          %sign3A_291 = arith.subi %sign3A_287, %sign3A_290 : i32
          %sign3A_292 = arith.constant 0 : i32
          %sign3A_293 = arith.cmpi sgt, %jit3A_283, %sign3A_292 : i32
          %sign3A_294 = arith.extui %sign3A_293 : i1 to i32
          %sign3A_295 = arith.constant 0 : i32
          %sign3A_296 = arith.cmpi slt, %jit3A_283, %sign3A_295 : i32
          %sign3A_297 = arith.extui %sign3A_296 : i1 to i32
          %sign3A_298 = arith.subi %sign3A_294, %sign3A_297 : i32
          %ne3A_299 = arith.cmpi ne, %sign3A_291, %sign3A_298 : i32
          %rem3A_300 = arith.remsi %scan3A_282, %jit3A_283 : i32
          %ne3A_301 = arith.constant 0 : i32
          %ne3A_302 = arith.cmpi ne, %rem3A_300, %ne3A_301 : i32
          %and3A_303 = arith.andi %ne3A_299, %ne3A_302 : i1
          %sub3A_304 = arith.constant 1 : i32
          %sub3A_305 = arith.subi %div3A_284, %sub3A_304 : i32
          %select_n3A_306 = arith.select %and3A_303, %sub3A_305, %div3A_284 : i32
          %mul3A_307 = arith.constant 19 : i32
          %mul3A_308 = arith.muli %select_n3A_306, %mul3A_307 : i32
          %sub3A_309 = arith.subi %scan3A_282, %mul3A_308 : i32
          %add3A_310 = arith.addi %mul3A_153, %select_n3A_306 : i32
          %jit3A_311 = arith.constant 199 : i32
          %div3A_312 = arith.divsi %add3A_310, %jit3A_311 : i32
          %sign3A_313 = arith.constant 0 : i32
          %sign3A_314 = arith.cmpi sgt, %add3A_310, %sign3A_313 : i32
          %sign3A_315 = arith.extui %sign3A_314 : i1 to i32
          %sign3A_316 = arith.constant 0 : i32
          %sign3A_317 = arith.cmpi slt, %add3A_310, %sign3A_316 : i32
          %sign3A_318 = arith.extui %sign3A_317 : i1 to i32
          %sign3A_319 = arith.subi %sign3A_315, %sign3A_318 : i32
          %sign3A_320 = arith.constant 0 : i32
          %sign3A_321 = arith.cmpi sgt, %jit3A_311, %sign3A_320 : i32
          %sign3A_322 = arith.extui %sign3A_321 : i1 to i32
          %sign3A_323 = arith.constant 0 : i32
          %sign3A_324 = arith.cmpi slt, %jit3A_311, %sign3A_323 : i32
          %sign3A_325 = arith.extui %sign3A_324 : i1 to i32
          %sign3A_326 = arith.subi %sign3A_322, %sign3A_325 : i32
          %ne3A_327 = arith.cmpi ne, %sign3A_319, %sign3A_326 : i32
          %rem3A_328 = arith.remsi %add3A_310, %jit3A_311 : i32
          %ne3A_329 = arith.constant 0 : i32
          %ne3A_330 = arith.cmpi ne, %rem3A_328, %ne3A_329 : i32
          %and3A_331 = arith.andi %ne3A_327, %ne3A_330 : i1
          %sub3A_332 = arith.constant 1 : i32
          %sub3A_333 = arith.subi %div3A_312, %sub3A_332 : i32
          %select_n3A_334 = arith.select %and3A_331, %sub3A_333, %div3A_312 : i32
          %mul3A_335 = arith.constant 190000 : i32
          %mul3A_336 = arith.muli %select_n3A_334, %mul3A_335 : i32
          %mul3A_337 = arith.constant 199 : i32
          %mul3A_338 = arith.muli %select_n3A_334, %mul3A_337 : i32
          %sub3A_339 = arith.subi %add3A_310, %mul3A_338 : i32
          %mul3A_340 = arith.constant 950 : i32
          %mul3A_341 = arith.muli %sub3A_339, %mul3A_340 : i32
          %add3A_342 = arith.addi %mul3A_336, %mul3A_341 : i32
          %sub3A_343 = arith.subi %add3A_342, %multiple_of3A_191 : i32
          %add3A_344 = arith.addi %sub3A_343, %sub3A_309 : i32
          %add3A_345 = vector.broadcast %add3A_344 : i32 to vector<16xi32>
          %add3A_346 = arith.addi %add3A_6, %add3A_345 : vector<16xi32>
          %gather3A = tpu.vector_load_idx %arg4[%add3A_346] : memref<9512xf32, #tpu.memory_space<vmem>>[vector<16xi32>], vector<16xf32>,
          %swap3A = arith.index_cast %scan3A_282 : i32 to index
          %swap3A_347 = arith.constant 0 : index
          %swap3A_348 = tpu.vector_load %arg6[%swap3A, %swap3A_347] {strides = array<i32>} : memref<152x100xf32, #tpu.memory_space<vmem>>, vector<16xf32>,
          tpu.vector_store %arg6[%swap3A, %swap3A_347], %gather3A {strides = array<i32>} : memref<152x100xf32, #tpu.memory_space<vmem>>, vector<16xf32>,
          %add3A_349 = vector.broadcast %add3A_344 : i32 to vector<16xi32>
          %add3A_350 = arith.addi %add3A_12, %add3A_349 : vector<16xi32>
          %gather3A_351 = tpu.vector_load_idx %arg4[%add3A_350] : memref<9512xf32, #tpu.memory_space<vmem>>[vector<16xi32>], vector<16xf32>,
          %swap3A_352 = arith.index_cast %scan3A_282 : i32 to index
          %swap3A_353 = arith.constant 16 : index
          %swap3A_354 = tpu.vector_load %arg6[%swap3A_352, %swap3A_353] {strides = array<i32>} : memref<152x100xf32, #tpu.memory_space<vmem>>, vector<16xf32>,
          tpu.vector_store %arg6[%swap3A_352, %swap3A_353], %gather3A_351 {strides = array<i32>} : memref<152x100xf32, #tpu.memory_space<vmem>>, vector<16xf32>,
          %add3A_355 = vector.broadcast %add3A_344 : i32 to vector<16xi32>
          %add3A_356 = arith.addi %add3A_18, %add3A_355 : vector<16xi32>
          %gather3A_357 = tpu.vector_load_idx %arg4[%add3A_356] : memref<9512xf32, #tpu.memory_space<vmem>>[vector<16xi32>], vector<16xf32>,
          %swap3A_358 = arith.index_cast %scan3A_282 : i32 to index
          %swap3A_359 = arith.constant 32 : index
          %swap3A_360 = tpu.vector_load %arg6[%swap3A_358, %swap3A_359] {strides = array<i32>} : memref<152x100xf32, #tpu.memory_space<vmem>>, vector<16xf32>,
          tpu.vector_store %arg6[%swap3A_358, %swap3A_359], %gather3A_357 {strides = array<i32>} : memref<152x100xf32, #tpu.memory_space<vmem>>, vector<16xf32>,
          %add3A_361 = vector.broadcast %add3A_344 : i32 to vector<16xi32>
          %add3A_362 = arith.addi %add3A_24, %add3A_361 : vector<16xi32>
          %gather3A_363 = tpu.vector_load_idx %arg4[%add3A_362] : memref<9512xf32, #tpu.memory_space<vmem>>[vector<16xi32>], vector<16xf32>,
          %swap3A_364 = arith.index_cast %scan3A_282 : i32 to index
          %swap3A_365 = arith.constant 48 : index
          %swap3A_366 = tpu.vector_load %arg6[%swap3A_364, %swap3A_365] {strides = array<i32>} : memref<152x100xf32, #tpu.memory_space<vmem>>, vector<16xf32>,
          tpu.vector_store %arg6[%swap3A_364, %swap3A_365], %gather3A_363 {strides = array<i32>} : memref<152x100xf32, #tpu.memory_space<vmem>>, vector<16xf32>,
          %add3A_367 = vector.broadcast %add3A_344 : i32 to vector<16xi32>
          %add3A_368 = arith.addi %add3A_30, %add3A_367 : vector<16xi32>
          %gather3A_369 = tpu.vector_load_idx %arg4[%add3A_368] : memref<9512xf32, #tpu.memory_space<vmem>>[vector<16xi32>], vector<16xf32>,
          %swap3A_370 = arith.index_cast %scan3A_282 : i32 to index
          %swap3A_371 = arith.constant 64 : index
          %swap3A_372 = tpu.vector_load %arg6[%swap3A_370, %swap3A_371] {strides = array<i32>} : memref<152x100xf32, #tpu.memory_space<vmem>>, vector<16xf32>,
          tpu.vector_store %arg6[%swap3A_370, %swap3A_371], %gather3A_369 {strides = array<i32>} : memref<152x100xf32, #tpu.memory_space<vmem>>, vector<16xf32>,
          %add3A_373 = vector.broadcast %add3A_344 : i32 to vector<16xi32>
          %add3A_374 = arith.addi %add3A_36, %add3A_373 : vector<16xi32>
          %gather3A_375 = tpu.vector_load_idx %arg4[%add3A_374] : memref<9512xf32, #tpu.memory_space<vmem>>[vector<16xi32>], vector<16xf32>,
          %swap3A_376 = arith.index_cast %scan3A_282 : i32 to index
          %swap3A_377 = arith.constant 80 : index
          %swap3A_378 = tpu.vector_load %arg6[%swap3A_376, %swap3A_377] {strides = array<i32>} : memref<152x100xf32, #tpu.memory_space<vmem>>, vector<16xf32>,
          tpu.vector_store %arg6[%swap3A_376, %swap3A_377], %gather3A_375 {strides = array<i32>} : memref<152x100xf32, #tpu.memory_space<vmem>>, vector<16xf32>,
          %add3A_379 = vector.broadcast %add3A_344 : i32 to vector<16xi32>
          %add3A_380 = arith.addi %add3A_42, %add3A_379 : vector<16xi32>
          %gather3A_381 = tpu.vector_load_idx %arg4[%add3A_380] : memref<9512xf32, #tpu.memory_space<vmem>>[vector<16xi32>], vector<16xf32>,
          %swap3A_382 = arith.index_cast %scan3A_282 : i32 to index
          %swap3A_383 = arith.constant 84 : index
          %swap3A_384 = tpu.vector_load %arg6[%swap3A_382, %swap3A_383] {strides = array<i32>} : memref<152x100xf32, #tpu.memory_space<vmem>>, vector<16xf32>,
          tpu.vector_store %arg6[%swap3A_382, %swap3A_383], %gather3A_381 {strides = array<i32>} : memref<152x100xf32, #tpu.memory_space<vmem>>, vector<16xf32>,
          %scan3A_385 = arith.constant 1 : i32
          %scan3A_386 = arith.addi %scan3A_282, %scan3A_385 : i32
          %jit3A_387 = arith.constant 19 : i32
          %div3A_388 = arith.divsi %scan3A_386, %jit3A_387 : i32
          %sign3A_389 = arith.constant 0 : i32
          %sign3A_390 = arith.cmpi sgt, %scan3A_386, %sign3A_389 : i32
          %sign3A_391 = arith.extui %sign3A_390 : i1 to i32
          %sign3A_392 = arith.constant 0 : i32
          %sign3A_393 = arith.cmpi slt, %scan3A_386, %sign3A_392 : i32
          %sign3A_394 = arith.extui %sign3A_393 : i1 to i32
          %sign3A_395 = arith.subi %sign3A_391, %sign3A_394 : i32
          %sign3A_396 = arith.constant 0 : i32
          %sign3A_397 = arith.cmpi sgt, %jit3A_387, %sign3A_396 : i32
          %sign3A_398 = arith.extui %sign3A_397 : i1 to i32
          %sign3A_399 = arith.constant 0 : i32
          %sign3A_400 = arith.cmpi slt, %jit3A_387, %sign3A_399 : i32
          %sign3A_401 = arith.extui %sign3A_400 : i1 to i32
          %sign3A_402 = arith.subi %sign3A_398, %sign3A_401 : i32
          %ne3A_403 = arith.cmpi ne, %sign3A_395, %sign3A_402 : i32
          %rem3A_404 = arith.remsi %scan3A_386, %jit3A_387 : i32
          %ne3A_405 = arith.constant 0 : i32
          %ne3A_406 = arith.cmpi ne, %rem3A_404, %ne3A_405 : i32
          %and3A_407 = arith.andi %ne3A_403, %ne3A_406 : i1
          %sub3A_408 = arith.constant 1 : i32
          %sub3A_409 = arith.subi %div3A_388, %sub3A_408 : i32
          %select_n3A_410 = arith.select %and3A_407, %sub3A_409, %div3A_388 : i32
          %mul3A_411 = arith.constant 19 : i32
          %mul3A_412 = arith.muli %select_n3A_410, %mul3A_411 : i32
          %sub3A_413 = arith.subi %scan3A_386, %mul3A_412 : i32
          %add3A_414 = arith.addi %mul3A_153, %select_n3A_410 : i32
          %jit3A_415 = arith.constant 199 : i32
          %div3A_416 = arith.divsi %add3A_414, %jit3A_415 : i32
          %sign3A_417 = arith.constant 0 : i32
          %sign3A_418 = arith.cmpi sgt, %add3A_414, %sign3A_417 : i32
          %sign3A_419 = arith.extui %sign3A_418 : i1 to i32
          %sign3A_420 = arith.constant 0 : i32
          %sign3A_421 = arith.cmpi slt, %add3A_414, %sign3A_420 : i32
          %sign3A_422 = arith.extui %sign3A_421 : i1 to i32
          %sign3A_423 = arith.subi %sign3A_419, %sign3A_422 : i32
          %sign3A_424 = arith.constant 0 : i32
          %sign3A_425 = arith.cmpi sgt, %jit3A_415, %sign3A_424 : i32
          %sign3A_426 = arith.extui %sign3A_425 : i1 to i32
          %sign3A_427 = arith.constant 0 : i32
          %sign3A_428 = arith.cmpi slt, %jit3A_415, %sign3A_427 : i32
          %sign3A_429 = arith.extui %sign3A_428 : i1 to i32
          %sign3A_430 = arith.subi %sign3A_426, %sign3A_429 : i32
          %ne3A_431 = arith.cmpi ne, %sign3A_423, %sign3A_430 : i32
          %rem3A_432 = arith.remsi %add3A_414, %jit3A_415 : i32
          %ne3A_433 = arith.constant 0 : i32
          %ne3A_434 = arith.cmpi ne, %rem3A_432, %ne3A_433 : i32
          %and3A_435 = arith.andi %ne3A_431, %ne3A_434 : i1
          %sub3A_436 = arith.constant 1 : i32
          %sub3A_437 = arith.subi %div3A_416, %sub3A_436 : i32
          %select_n3A_438 = arith.select %and3A_435, %sub3A_437, %div3A_416 : i32
          %mul3A_439 = arith.constant 190000 : i32
          %mul3A_440 = arith.muli %select_n3A_438, %mul3A_439 : i32
          %mul3A_441 = arith.constant 199 : i32
          %mul3A_442 = arith.muli %select_n3A_438, %mul3A_441 : i32
          %sub3A_443 = arith.subi %add3A_414, %mul3A_442 : i32
          %mul3A_444 = arith.constant 950 : i32
          %mul3A_445 = arith.muli %sub3A_443, %mul3A_444 : i32
          %add3A_446 = arith.addi %mul3A_440, %mul3A_445 : i32
          %sub3A_447 = arith.subi %add3A_446, %multiple_of3A_191 : i32
          %add3A_448 = arith.addi %sub3A_447, %sub3A_413 : i32
          %add3A_449 = vector.broadcast %add3A_448 : i32 to vector<16xi32>
          %add3A_450 = arith.addi %add3A_6, %add3A_449 : vector<16xi32>
          %gather3A_451 = tpu.vector_load_idx %arg4[%add3A_450] : memref<9512xf32, #tpu.memory_space<vmem>>[vector<16xi32>], vector<16xf32>,
          %swap3A_452 = arith.index_cast %scan3A_386 : i32 to index
          %swap3A_453 = arith.constant 0 : index
          %swap3A_454 = tpu.vector_load %arg6[%swap3A_452, %swap3A_453] {strides = array<i32>} : memref<152x100xf32, #tpu.memory_space<vmem>>, vector<16xf32>,
          tpu.vector_store %arg6[%swap3A_452, %swap3A_453], %gather3A_451 {strides = array<i32>} : memref<152x100xf32, #tpu.memory_space<vmem>>, vector<16xf32>,
          %add3A_455 = vector.broadcast %add3A_448 : i32 to vector<16xi32>
          %add3A_456 = arith.addi %add3A_12, %add3A_455 : vector<16xi32>
          %gather3A_457 = tpu.vector_load_idx %arg4[%add3A_456] : memref<9512xf32, #tpu.memory_space<vmem>>[vector<16xi32>], vector<16xf32>,
          %swap3A_458 = arith.index_cast %scan3A_386 : i32 to index
          %swap3A_459 = arith.constant 16 : index
          %swap3A_460 = tpu.vector_load %arg6[%swap3A_458, %swap3A_459] {strides = array<i32>} : memref<152x100xf32, #tpu.memory_space<vmem>>, vector<16xf32>,
          tpu.vector_store %arg6[%swap3A_458, %swap3A_459], %gather3A_457 {strides = array<i32>} : memref<152x100xf32, #tpu.memory_space<vmem>>, vector<16xf32>,
          %add3A_461 = vector.broadcast %add3A_448 : i32 to vector<16xi32>
          %add3A_462 = arith.addi %add3A_18, %add3A_461 : vector<16xi32>
          %gather3A_463 = tpu.vector_load_idx %arg4[%add3A_462] : memref<9512xf32, #tpu.memory_space<vmem>>[vector<16xi32>], vector<16xf32>,
          %swap3A_464 = arith.index_cast %scan3A_386 : i32 to index
          %swap3A_465 = arith.constant 32 : index
          %swap3A_466 = tpu.vector_load %arg6[%swap3A_464, %swap3A_465] {strides = array<i32>} : memref<152x100xf32, #tpu.memory_space<vmem>>, vector<16xf32>,
          tpu.vector_store %arg6[%swap3A_464, %swap3A_465], %gather3A_463 {strides = array<i32>} : memref<152x100xf32, #tpu.memory_space<vmem>>, vector<16xf32>,
          %add3A_467 = vector.broadcast %add3A_448 : i32 to vector<16xi32>
          %add3A_468 = arith.addi %add3A_24, %add3A_467 : vector<16xi32>
          %gather3A_469 = tpu.vector_load_idx %arg4[%add3A_468] : memref<9512xf32, #tpu.memory_space<vmem>>[vector<16xi32>], vector<16xf32>,
          %swap3A_470 = arith.index_cast %scan3A_386 : i32 to index
          %swap3A_471 = arith.constant 48 : index
          %swap3A_472 = tpu.vector_load %arg6[%swap3A_470, %swap3A_471] {strides = array<i32>} : memref<152x100xf32, #tpu.memory_space<vmem>>, vector<16xf32>,
          tpu.vector_store %arg6[%swap3A_470, %swap3A_471], %gather3A_469 {strides = array<i32>} : memref<152x100xf32, #tpu.memory_space<vmem>>, vector<16xf32>,
          %add3A_473 = vector.broadcast %add3A_448 : i32 to vector<16xi32>
          %add3A_474 = arith.addi %add3A_30, %add3A_473 : vector<16xi32>
          %gather3A_475 = tpu.vector_load_idx %arg4[%add3A_474] : memref<9512xf32, #tpu.memory_space<vmem>>[vector<16xi32>], vector<16xf32>,
          %swap3A_476 = arith.index_cast %scan3A_386 : i32 to index
          %swap3A_477 = arith.constant 64 : index
          %swap3A_478 = tpu.vector_load %arg6[%swap3A_476, %swap3A_477] {strides = array<i32>} : memref<152x100xf32, #tpu.memory_space<vmem>>, vector<16xf32>,
          tpu.vector_store %arg6[%swap3A_476, %swap3A_477], %gather3A_475 {strides = array<i32>} : memref<152x100xf32, #tpu.memory_space<vmem>>, vector<16xf32>,
          %add3A_479 = vector.broadcast %add3A_448 : i32 to vector<16xi32>
          %add3A_480 = arith.addi %add3A_36, %add3A_479 : vector<16xi32>
          %gather3A_481 = tpu.vector_load_idx %arg4[%add3A_480] : memref<9512xf32, #tpu.memory_space<vmem>>[vector<16xi32>], vector<16xf32>,
          %swap3A_482 = arith.index_cast %scan3A_386 : i32 to index
          %swap3A_483 = arith.constant 80 : index
          %swap3A_484 = tpu.vector_load %arg6[%swap3A_482, %swap3A_483] {strides = array<i32>} : memref<152x100xf32, #tpu.memory_space<vmem>>, vector<16xf32>,
          tpu.vector_store %arg6[%swap3A_482, %swap3A_483], %gather3A_481 {strides = array<i32>} : memref<152x100xf32, #tpu.memory_space<vmem>>, vector<16xf32>,
          %add3A_485 = vector.broadcast %add3A_448 : i32 to vector<16xi32>
          %add3A_486 = arith.addi %add3A_42, %add3A_485 : vector<16xi32>
          %gather3A_487 = tpu.vector_load_idx %arg4[%add3A_486] : memref<9512xf32, #tpu.memory_space<vmem>>[vector<16xi32>], vector<16xf32>,
          %swap3A_488 = arith.index_cast %scan3A_386 : i32 to index
          %swap3A_489 = arith.constant 84 : index
          %swap3A_490 = tpu.vector_load %arg6[%swap3A_488, %swap3A_489] {strides = array<i32>} : memref<152x100xf32, #tpu.memory_space<vmem>>, vector<16xf32>,
          tpu.vector_store %arg6[%swap3A_488, %swap3A_489], %gather3A_487 {strides = array<i32>} : memref<152x100xf32, #tpu.memory_space<vmem>>, vector<16xf32>,
        }
        %scan3A_275 = arith.constant 152 : i32
        %mul3A_276 = arith.constant 152 : i32
        %mul3A_277 = arith.muli %add3A_141, %mul3A_276 : i32
        %dma_start3A_278 = arith.constant 0 : i32
        %dma_start3A_279 = tpu.memref_slice %arg3[%mul3A_277, %dma_start3A_278] : memref<241984x100xf32, #tpu.memory_space<hbm>> -> memref<152x100xf32, #tpu.memory_space<hbm>>
        %dma_start3A_280 = arith.constant 0 : i32
        %dma_start3A_281 = tpu.memref_slice %arg3[%mul3A_277, %dma_start3A_280] : memref<241984x100xf32, #tpu.memory_space<hbm>> -> memref<152x100xf32, #tpu.memory_space<hbm>>
        tpu.enqueue_dma source(%arg6 : memref<152x100xf32, #tpu.memory_space<vmem>>) target(%dma_start3A_281 : memref<152x100xf32, #tpu.memory_space<hbm>>) target_semaphore(%arg10 : memref<!tpu.dma_semaphore, #tpu.memory_space<semaphore_mem>>)
      } else {
      }
      %add3A_195 = arith.constant 64 : i32
      %add3A_196 = arith.addi %add3A_141, %add3A_195 : i32
      %lt3A_197 = arith.constant 1592 : i32
      %lt3A_198 = arith.cmpi slt, %add3A_196, %lt3A_197 : i32
      %convert_element_type3A_199 = arith.extui %lt3A_198 : i1 to i32
      %cond3A_200 = arith.constant 0 : i32
      %cond3A_201 = arith.cmpi ne, %convert_element_type3A_199, %cond3A_200 : i32
      scf.if %cond3A_201 {
        %add3A_270 = arith.constant 64 : i32
        %add3A_271 = arith.addi %add3A_141, %add3A_270 : i32
        %mul3A_272 = arith.constant 8 : i32
        %mul3A_273 = arith.muli %add3A_271, %mul3A_272 : i32
        %jit3A_274 = arith.constant 199 : i32
        %div3A_275 = arith.divsi %mul3A_273, %jit3A_274 : i32
        %sign3A_276 = arith.constant 0 : i32
        %sign3A_277 = arith.cmpi sgt, %mul3A_273, %sign3A_276 : i32
        %sign3A_278 = arith.extui %sign3A_277 : i1 to i32
        %sign3A_279 = arith.constant 0 : i32
        %sign3A_280 = arith.cmpi slt, %mul3A_273, %sign3A_279 : i32
        %sign3A_281 = arith.extui %sign3A_280 : i1 to i32
        %sign3A_282 = arith.subi %sign3A_278, %sign3A_281 : i32
        %sign3A_283 = arith.constant 0 : i32
        %sign3A_284 = arith.cmpi sgt, %jit3A_274, %sign3A_283 : i32
        %sign3A_285 = arith.extui %sign3A_284 : i1 to i32
        %sign3A_286 = arith.constant 0 : i32
        %sign3A_287 = arith.cmpi slt, %jit3A_274, %sign3A_286 : i32
        %sign3A_288 = arith.extui %sign3A_287 : i1 to i32
        %sign3A_289 = arith.subi %sign3A_285, %sign3A_288 : i32
        %ne3A_290 = arith.cmpi ne, %sign3A_282, %sign3A_289 : i32
        %rem3A_291 = arith.remsi %mul3A_273, %jit3A_274 : i32
        %ne3A_292 = arith.constant 0 : i32
        %ne3A_293 = arith.cmpi ne, %rem3A_291, %ne3A_292 : i32
        %and3A_294 = arith.andi %ne3A_290, %ne3A_293 : i1
        %sub3A_295 = arith.constant 1 : i32
        %sub3A_296 = arith.subi %div3A_275, %sub3A_295 : i32
        %select_n3A_297 = arith.select %and3A_294, %sub3A_296, %div3A_275 : i32
        %mul3A_298 = arith.constant 190000 : i32
        %mul3A_299 = arith.muli %select_n3A_297, %mul3A_298 : i32
        %mul3A_300 = arith.constant 199 : i32
        %mul3A_301 = arith.muli %select_n3A_297, %mul3A_300 : i32
        %sub3A_302 = arith.subi %mul3A_273, %mul3A_301 : i32
        %mul3A_303 = arith.constant 950 : i32
        %mul3A_304 = arith.muli %sub3A_302, %mul3A_303 : i32
        %add3A_305 = arith.addi %mul3A_299, %mul3A_304 : i32
        %rem3A_306 = arith.constant 8 : i32
        %rem3A_307 = arith.remsi %add3A_305, %rem3A_306 : i32
        %sub3A_308 = arith.subi %add3A_305, %rem3A_307 : i32
        %min3A_309 = arith.constant 12150488 : i32
        %min3A_310 = arith.minsi %sub3A_308, %min3A_309 : i32
        %multiple_of3A_311 = tpu.assume_multiple %min3A_310, 8 : i32
        %dma_start3A_312 = tpu.memref_slice %arg2[%multiple_of3A_311] : memref<12160000xf32, #tpu.memory_space<hbm>> -> memref<9512xf32, #tpu.memory_space<hbm>>
        %dma_start3A_313 = tpu.memref_slice %arg2[%multiple_of3A_311] : memref<12160000xf32, #tpu.memory_space<hbm>> -> memref<9512xf32, #tpu.memory_space<hbm>>
        tpu.enqueue_dma source(%dma_start3A_313 : memref<9512xf32, #tpu.memory_space<hbm>>) target(%arg4 : memref<9512xf32, #tpu.memory_space<vmem>>) target_semaphore(%arg8 : memref<!tpu.dma_semaphore, #tpu.memory_space<semaphore_mem>>)
      } else {
      }
      %mul3A_202 = arith.constant 2 : i32
      %mul3A_203 = arith.muli %mul3A_202, %scan3A_134 : i32
      %add3A_204 = arith.constant 1 : i32
      %add3A_205 = arith.addi %mul3A_203, %add3A_204 : i32
      %mul3A_206 = arith.constant 32 : i32
      %mul3A_207 = arith.muli %add3A_205, %mul3A_206 : i32
      %add3A_208 = arith.addi %add3A, %mul3A_207 : i32
      %lt3A_209 = arith.constant 1592 : i32
      %lt3A_210 = arith.cmpi slt, %add3A_208, %lt3A_209 : i32
      %convert_element_type3A_211 = arith.extui %lt3A_210 : i1 to i32
      %cond3A_212 = arith.constant 0 : i32
      %cond3A_213 = arith.cmpi ne, %convert_element_type3A_211, %cond3A_212 : i32
      scf.if %cond3A_213 {
        %mul3A_270 = arith.constant 8 : i32
        %mul3A_271 = arith.muli %add3A_208, %mul3A_270 : i32
        %jit3A_272 = arith.constant 199 : i32
        %div3A_273 = arith.divsi %mul3A_271, %jit3A_272 : i32
        %sign3A_274 = arith.constant 0 : i32
        %sign3A_275 = arith.cmpi sgt, %mul3A_271, %sign3A_274 : i32
        %sign3A_276 = arith.extui %sign3A_275 : i1 to i32
        %sign3A_277 = arith.constant 0 : i32
        %sign3A_278 = arith.cmpi slt, %mul3A_271, %sign3A_277 : i32
        %sign3A_279 = arith.extui %sign3A_278 : i1 to i32
        %sign3A_280 = arith.subi %sign3A_276, %sign3A_279 : i32
        %sign3A_281 = arith.constant 0 : i32
        %sign3A_282 = arith.cmpi sgt, %jit3A_272, %sign3A_281 : i32
        %sign3A_283 = arith.extui %sign3A_282 : i1 to i32
        %sign3A_284 = arith.constant 0 : i32
        %sign3A_285 = arith.cmpi slt, %jit3A_272, %sign3A_284 : i32
        %sign3A_286 = arith.extui %sign3A_285 : i1 to i32
        %sign3A_287 = arith.subi %sign3A_283, %sign3A_286 : i32
        %ne3A_288 = arith.cmpi ne, %sign3A_280, %sign3A_287 : i32
        %rem3A_289 = arith.remsi %mul3A_271, %jit3A_272 : i32
        %ne3A_290 = arith.constant 0 : i32
        %ne3A_291 = arith.cmpi ne, %rem3A_289, %ne3A_290 : i32
        %and3A_292 = arith.andi %ne3A_288, %ne3A_291 : i1
        %sub3A_293 = arith.constant 1 : i32
        %sub3A_294 = arith.subi %div3A_273, %sub3A_293 : i32
        %select_n3A_295 = arith.select %and3A_292, %sub3A_294, %div3A_273 : i32
        %mul3A_296 = arith.constant 190000 : i32
        %mul3A_297 = arith.muli %select_n3A_295, %mul3A_296 : i32
        %mul3A_298 = arith.constant 199 : i32
        %mul3A_299 = arith.muli %select_n3A_295, %mul3A_298 : i32
        %sub3A_300 = arith.subi %mul3A_271, %mul3A_299 : i32
        %mul3A_301 = arith.constant 950 : i32
        %mul3A_302 = arith.muli %sub3A_300, %mul3A_301 : i32
        %add3A_303 = arith.addi %mul3A_297, %mul3A_302 : i32
        %rem3A_304 = arith.constant 8 : i32
        %rem3A_305 = arith.remsi %add3A_303, %rem3A_304 : i32
        %sub3A_306 = arith.subi %add3A_303, %rem3A_305 : i32
        %min3A_307 = arith.constant 12150488 : i32
        %min3A_308 = arith.minsi %sub3A_306, %min3A_307 : i32
        %multiple_of3A_309 = tpu.assume_multiple %min3A_308, 8 : i32
        %dma_wait3A = tpu.memref_slice %arg2[%multiple_of3A_309] : memref<12160000xf32, #tpu.memory_space<hbm>> -> memref<9512xf32, #tpu.memory_space<hbm>>
        %dma_wait3A_310 = tpu.memref_slice %arg2[%multiple_of3A_309] : memref<12160000xf32, #tpu.memory_space<hbm>> -> memref<9512xf32, #tpu.memory_space<hbm>>
        tpu.wait_dma2 semaphore(%arg9 : memref<!tpu.dma_semaphore, #tpu.memory_space<semaphore_mem>>) src(%dma_wait3A_310 : memref<9512xf32, #tpu.memory_space<hbm>>) dst(%arg5 : memref<9512xf32, #tpu.memory_space<vmem>>)
      } else {
      }
      %ge3A_214 = arith.constant 2 : i32
      %ge3A_215 = arith.cmpi sge, %add3A_205, %ge3A_214 : i32
      %and3A_216 = arith.andi %ge3A_215, %lt3A_210 : i1
      %convert_element_type3A_217 = arith.extui %and3A_216 : i1 to i32
      %cond3A_218 = arith.constant 0 : i32
      %cond3A_219 = arith.cmpi ne, %convert_element_type3A_217, %cond3A_218 : i32
      scf.if %cond3A_219 {
        %sub3A_270 = arith.constant 64 : i32
        %sub3A_271 = arith.subi %add3A_208, %sub3A_270 : i32
        %mul3A_272 = arith.constant 152 : i32
        %mul3A_273 = arith.muli %sub3A_271, %mul3A_272 : i32
        %dma_wait3A = arith.constant 0 : i32
        %dma_wait3A_274 = tpu.memref_slice %arg3[%mul3A_273, %dma_wait3A] : memref<241984x100xf32, #tpu.memory_space<hbm>> -> memref<152x100xf32, #tpu.memory_space<hbm>>
        %dma_wait3A_275 = arith.constant 0 : i32
        %dma_wait3A_276 = tpu.memref_slice %arg3[%mul3A_273, %dma_wait3A_275] : memref<241984x100xf32, #tpu.memory_space<hbm>> -> memref<152x100xf32, #tpu.memory_space<hbm>>
        tpu.wait_dma2 semaphore(%arg11 : memref<!tpu.dma_semaphore, #tpu.memory_space<semaphore_mem>>) src(%arg7 : memref<152x100xf32, #tpu.memory_space<vmem>>) dst(%dma_wait3A_276 : memref<152x100xf32, #tpu.memory_space<hbm>>)
      } else {
      }
      %mul3A_220 = arith.constant 8 : i32
      %mul3A_221 = arith.muli %add3A_208, %mul3A_220 : i32
      %jit3A_222 = arith.constant 199 : i32
      %div3A_223 = arith.divsi %mul3A_221, %jit3A_222 : i32
      %sign3A_224 = arith.constant 0 : i32
      %sign3A_225 = arith.cmpi sgt, %mul3A_221, %sign3A_224 : i32
      %sign3A_226 = arith.extui %sign3A_225 : i1 to i32
      %sign3A_227 = arith.constant 0 : i32
      %sign3A_228 = arith.cmpi slt, %mul3A_221, %sign3A_227 : i32
      %sign3A_229 = arith.extui %sign3A_228 : i1 to i32
      %sign3A_230 = arith.subi %sign3A_226, %sign3A_229 : i32
      %sign3A_231 = arith.constant 0 : i32
      %sign3A_232 = arith.cmpi sgt, %jit3A_222, %sign3A_231 : i32
      %sign3A_233 = arith.extui %sign3A_232 : i1 to i32
      %sign3A_234 = arith.constant 0 : i32
      %sign3A_235 = arith.cmpi slt, %jit3A_222, %sign3A_234 : i32
      %sign3A_236 = arith.extui %sign3A_235 : i1 to i32
      %sign3A_237 = arith.subi %sign3A_233, %sign3A_236 : i32
      %ne3A_238 = arith.cmpi ne, %sign3A_230, %sign3A_237 : i32
      %rem3A_239 = arith.remsi %mul3A_221, %jit3A_222 : i32
      %ne3A_240 = arith.constant 0 : i32
      %ne3A_241 = arith.cmpi ne, %rem3A_239, %ne3A_240 : i32
      %and3A_242 = arith.andi %ne3A_238, %ne3A_241 : i1
      %sub3A_243 = arith.constant 1 : i32
      %sub3A_244 = arith.subi %div3A_223, %sub3A_243 : i32
      %select_n3A_245 = arith.select %and3A_242, %sub3A_244, %div3A_223 : i32
      %mul3A_246 = arith.constant 190000 : i32
      %mul3A_247 = arith.muli %select_n3A_245, %mul3A_246 : i32
      %mul3A_248 = arith.constant 199 : i32
      %mul3A_249 = arith.muli %select_n3A_245, %mul3A_248 : i32
      %sub3A_250 = arith.subi %mul3A_221, %mul3A_249 : i32
      %mul3A_251 = arith.constant 950 : i32
      %mul3A_252 = arith.muli %sub3A_250, %mul3A_251 : i32
      %add3A_253 = arith.addi %mul3A_247, %mul3A_252 : i32
      %rem3A_254 = arith.constant 8 : i32
      %rem3A_255 = arith.remsi %add3A_253, %rem3A_254 : i32
      %sub3A_256 = arith.subi %add3A_253, %rem3A_255 : i32
      %min3A_257 = arith.constant 12150488 : i32
      %min3A_258 = arith.minsi %sub3A_256, %min3A_257 : i32
      %multiple_of3A_259 = tpu.assume_multiple %min3A_258, 8 : i32
      %convert_element_type3A_260 = arith.extui %lt3A_210 : i1 to i32
      %cond3A_261 = arith.constant 0 : i32
      %cond3A_262 = arith.cmpi ne, %convert_element_type3A_260, %cond3A_261 : i32
      scf.if %cond3A_262 {
        %scan3A_270 = arith.constant 0 : i32
        %scan3A_271 = arith.constant 0 : i32
        %scan3A_272 = arith.constant 152 : i32
        %scan3A_273 = arith.addi %scan3A_271, %scan3A_272 : i32
        %scan3A_274 = arith.constant 2 : i32
        scf.for %scan3A_282 = %scan3A_271 to %scan3A_273 step %scan3A_274  : i32 {
          %jit3A_283 = arith.constant 19 : i32
          %div3A_284 = arith.divsi %scan3A_282, %jit3A_283 : i32
          %sign3A_285 = arith.constant 0 : i32
          %sign3A_286 = arith.cmpi sgt, %scan3A_282, %sign3A_285 : i32
          %sign3A_287 = arith.extui %sign3A_286 : i1 to i32
          %sign3A_288 = arith.constant 0 : i32
          %sign3A_289 = arith.cmpi slt, %scan3A_282, %sign3A_288 : i32
          %sign3A_290 = arith.extui %sign3A_289 : i1 to i32
          %sign3A_291 = arith.subi %sign3A_287, %sign3A_290 : i32
          %sign3A_292 = arith.constant 0 : i32
          %sign3A_293 = arith.cmpi sgt, %jit3A_283, %sign3A_292 : i32
          %sign3A_294 = arith.extui %sign3A_293 : i1 to i32
          %sign3A_295 = arith.constant 0 : i32
          %sign3A_296 = arith.cmpi slt, %jit3A_283, %sign3A_295 : i32
          %sign3A_297 = arith.extui %sign3A_296 : i1 to i32
          %sign3A_298 = arith.subi %sign3A_294, %sign3A_297 : i32
          %ne3A_299 = arith.cmpi ne, %sign3A_291, %sign3A_298 : i32
          %rem3A_300 = arith.remsi %scan3A_282, %jit3A_283 : i32
          %ne3A_301 = arith.constant 0 : i32
          %ne3A_302 = arith.cmpi ne, %rem3A_300, %ne3A_301 : i32
          %and3A_303 = arith.andi %ne3A_299, %ne3A_302 : i1
          %sub3A_304 = arith.constant 1 : i32
          %sub3A_305 = arith.subi %div3A_284, %sub3A_304 : i32
          %select_n3A_306 = arith.select %and3A_303, %sub3A_305, %div3A_284 : i32
          %mul3A_307 = arith.constant 19 : i32
          %mul3A_308 = arith.muli %select_n3A_306, %mul3A_307 : i32
          %sub3A_309 = arith.subi %scan3A_282, %mul3A_308 : i32
          %add3A_310 = arith.addi %mul3A_221, %select_n3A_306 : i32
          %jit3A_311 = arith.constant 199 : i32
          %div3A_312 = arith.divsi %add3A_310, %jit3A_311 : i32
          %sign3A_313 = arith.constant 0 : i32
          %sign3A_314 = arith.cmpi sgt, %add3A_310, %sign3A_313 : i32
          %sign3A_315 = arith.extui %sign3A_314 : i1 to i32
          %sign3A_316 = arith.constant 0 : i32
          %sign3A_317 = arith.cmpi slt, %add3A_310, %sign3A_316 : i32
          %sign3A_318 = arith.extui %sign3A_317 : i1 to i32
          %sign3A_319 = arith.subi %sign3A_315, %sign3A_318 : i32
          %sign3A_320 = arith.constant 0 : i32
          %sign3A_321 = arith.cmpi sgt, %jit3A_311, %sign3A_320 : i32
          %sign3A_322 = arith.extui %sign3A_321 : i1 to i32
          %sign3A_323 = arith.constant 0 : i32
          %sign3A_324 = arith.cmpi slt, %jit3A_311, %sign3A_323 : i32
          %sign3A_325 = arith.extui %sign3A_324 : i1 to i32
          %sign3A_326 = arith.subi %sign3A_322, %sign3A_325 : i32
          %ne3A_327 = arith.cmpi ne, %sign3A_319, %sign3A_326 : i32
          %rem3A_328 = arith.remsi %add3A_310, %jit3A_311 : i32
          %ne3A_329 = arith.constant 0 : i32
          %ne3A_330 = arith.cmpi ne, %rem3A_328, %ne3A_329 : i32
          %and3A_331 = arith.andi %ne3A_327, %ne3A_330 : i1
          %sub3A_332 = arith.constant 1 : i32
          %sub3A_333 = arith.subi %div3A_312, %sub3A_332 : i32
          %select_n3A_334 = arith.select %and3A_331, %sub3A_333, %div3A_312 : i32
          %mul3A_335 = arith.constant 190000 : i32
          %mul3A_336 = arith.muli %select_n3A_334, %mul3A_335 : i32
          %mul3A_337 = arith.constant 199 : i32
          %mul3A_338 = arith.muli %select_n3A_334, %mul3A_337 : i32
          %sub3A_339 = arith.subi %add3A_310, %mul3A_338 : i32
          %mul3A_340 = arith.constant 950 : i32
          %mul3A_341 = arith.muli %sub3A_339, %mul3A_340 : i32
          %add3A_342 = arith.addi %mul3A_336, %mul3A_341 : i32
          %sub3A_343 = arith.subi %add3A_342, %multiple_of3A_259 : i32
          %add3A_344 = arith.addi %sub3A_343, %sub3A_309 : i32
          %add3A_345 = vector.broadcast %add3A_344 : i32 to vector<16xi32>
          %add3A_346 = arith.addi %add3A_6, %add3A_345 : vector<16xi32>
          %gather3A = tpu.vector_load_idx %arg5[%add3A_346] : memref<9512xf32, #tpu.memory_space<vmem>>[vector<16xi32>], vector<16xf32>,
          %swap3A = arith.index_cast %scan3A_282 : i32 to index
          %swap3A_347 = arith.constant 0 : index
          %swap3A_348 = tpu.vector_load %arg7[%swap3A, %swap3A_347] {strides = array<i32>} : memref<152x100xf32, #tpu.memory_space<vmem>>, vector<16xf32>,
          tpu.vector_store %arg7[%swap3A, %swap3A_347], %gather3A {strides = array<i32>} : memref<152x100xf32, #tpu.memory_space<vmem>>, vector<16xf32>,
          %add3A_349 = vector.broadcast %add3A_344 : i32 to vector<16xi32>
          %add3A_350 = arith.addi %add3A_12, %add3A_349 : vector<16xi32>
          %gather3A_351 = tpu.vector_load_idx %arg5[%add3A_350] : memref<9512xf32, #tpu.memory_space<vmem>>[vector<16xi32>], vector<16xf32>,
          %swap3A_352 = arith.index_cast %scan3A_282 : i32 to index
          %swap3A_353 = arith.constant 16 : index
          %swap3A_354 = tpu.vector_load %arg7[%swap3A_352, %swap3A_353] {strides = array<i32>} : memref<152x100xf32, #tpu.memory_space<vmem>>, vector<16xf32>,
          tpu.vector_store %arg7[%swap3A_352, %swap3A_353], %gather3A_351 {strides = array<i32>} : memref<152x100xf32, #tpu.memory_space<vmem>>, vector<16xf32>,
          %add3A_355 = vector.broadcast %add3A_344 : i32 to vector<16xi32>
          %add3A_356 = arith.addi %add3A_18, %add3A_355 : vector<16xi32>
          %gather3A_357 = tpu.vector_load_idx %arg5[%add3A_356] : memref<9512xf32, #tpu.memory_space<vmem>>[vector<16xi32>], vector<16xf32>,
          %swap3A_358 = arith.index_cast %scan3A_282 : i32 to index
          %swap3A_359 = arith.constant 32 : index
          %swap3A_360 = tpu.vector_load %arg7[%swap3A_358, %swap3A_359] {strides = array<i32>} : memref<152x100xf32, #tpu.memory_space<vmem>>, vector<16xf32>,
          tpu.vector_store %arg7[%swap3A_358, %swap3A_359], %gather3A_357 {strides = array<i32>} : memref<152x100xf32, #tpu.memory_space<vmem>>, vector<16xf32>,
          %add3A_361 = vector.broadcast %add3A_344 : i32 to vector<16xi32>
          %add3A_362 = arith.addi %add3A_24, %add3A_361 : vector<16xi32>
          %gather3A_363 = tpu.vector_load_idx %arg5[%add3A_362] : memref<9512xf32, #tpu.memory_space<vmem>>[vector<16xi32>], vector<16xf32>,
          %swap3A_364 = arith.index_cast %scan3A_282 : i32 to index
          %swap3A_365 = arith.constant 48 : index
          %swap3A_366 = tpu.vector_load %arg7[%swap3A_364, %swap3A_365] {strides = array<i32>} : memref<152x100xf32, #tpu.memory_space<vmem>>, vector<16xf32>,
          tpu.vector_store %arg7[%swap3A_364, %swap3A_365], %gather3A_363 {strides = array<i32>} : memref<152x100xf32, #tpu.memory_space<vmem>>, vector<16xf32>,
          %add3A_367 = vector.broadcast %add3A_344 : i32 to vector<16xi32>
          %add3A_368 = arith.addi %add3A_30, %add3A_367 : vector<16xi32>
          %gather3A_369 = tpu.vector_load_idx %arg5[%add3A_368] : memref<9512xf32, #tpu.memory_space<vmem>>[vector<16xi32>], vector<16xf32>,
          %swap3A_370 = arith.index_cast %scan3A_282 : i32 to index
          %swap3A_371 = arith.constant 64 : index
          %swap3A_372 = tpu.vector_load %arg7[%swap3A_370, %swap3A_371] {strides = array<i32>} : memref<152x100xf32, #tpu.memory_space<vmem>>, vector<16xf32>,
          tpu.vector_store %arg7[%swap3A_370, %swap3A_371], %gather3A_369 {strides = array<i32>} : memref<152x100xf32, #tpu.memory_space<vmem>>, vector<16xf32>,
          %add3A_373 = vector.broadcast %add3A_344 : i32 to vector<16xi32>
          %add3A_374 = arith.addi %add3A_36, %add3A_373 : vector<16xi32>
          %gather3A_375 = tpu.vector_load_idx %arg5[%add3A_374] : memref<9512xf32, #tpu.memory_space<vmem>>[vector<16xi32>], vector<16xf32>,
          %swap3A_376 = arith.index_cast %scan3A_282 : i32 to index
          %swap3A_377 = arith.constant 80 : index
          %swap3A_378 = tpu.vector_load %arg7[%swap3A_376, %swap3A_377] {strides = array<i32>} : memref<152x100xf32, #tpu.memory_space<vmem>>, vector<16xf32>,
          tpu.vector_store %arg7[%swap3A_376, %swap3A_377], %gather3A_375 {strides = array<i32>} : memref<152x100xf32, #tpu.memory_space<vmem>>, vector<16xf32>,
          %add3A_379 = vector.broadcast %add3A_344 : i32 to vector<16xi32>
          %add3A_380 = arith.addi %add3A_42, %add3A_379 : vector<16xi32>
          %gather3A_381 = tpu.vector_load_idx %arg5[%add3A_380] : memref<9512xf32, #tpu.memory_space<vmem>>[vector<16xi32>], vector<16xf32>,
          %swap3A_382 = arith.index_cast %scan3A_282 : i32 to index
          %swap3A_383 = arith.constant 84 : index
          %swap3A_384 = tpu.vector_load %arg7[%swap3A_382, %swap3A_383] {strides = array<i32>} : memref<152x100xf32, #tpu.memory_space<vmem>>, vector<16xf32>,
          tpu.vector_store %arg7[%swap3A_382, %swap3A_383], %gather3A_381 {strides = array<i32>} : memref<152x100xf32, #tpu.memory_space<vmem>>, vector<16xf32>,
          %scan3A_385 = arith.constant 1 : i32
          %scan3A_386 = arith.addi %scan3A_282, %scan3A_385 : i32
          %jit3A_387 = arith.constant 19 : i32
          %div3A_388 = arith.divsi %scan3A_386, %jit3A_387 : i32
          %sign3A_389 = arith.constant 0 : i32
          %sign3A_390 = arith.cmpi sgt, %scan3A_386, %sign3A_389 : i32
          %sign3A_391 = arith.extui %sign3A_390 : i1 to i32
          %sign3A_392 = arith.constant 0 : i32
          %sign3A_393 = arith.cmpi slt, %scan3A_386, %sign3A_392 : i32
          %sign3A_394 = arith.extui %sign3A_393 : i1 to i32
          %sign3A_395 = arith.subi %sign3A_391, %sign3A_394 : i32
          %sign3A_396 = arith.constant 0 : i32
          %sign3A_397 = arith.cmpi sgt, %jit3A_387, %sign3A_396 : i32
          %sign3A_398 = arith.extui %sign3A_397 : i1 to i32
          %sign3A_399 = arith.constant 0 : i32
          %sign3A_400 = arith.cmpi slt, %jit3A_387, %sign3A_399 : i32
          %sign3A_401 = arith.extui %sign3A_400 : i1 to i32
          %sign3A_402 = arith.subi %sign3A_398, %sign3A_401 : i32
          %ne3A_403 = arith.cmpi ne, %sign3A_395, %sign3A_402 : i32
          %rem3A_404 = arith.remsi %scan3A_386, %jit3A_387 : i32
          %ne3A_405 = arith.constant 0 : i32
          %ne3A_406 = arith.cmpi ne, %rem3A_404, %ne3A_405 : i32
          %and3A_407 = arith.andi %ne3A_403, %ne3A_406 : i1
          %sub3A_408 = arith.constant 1 : i32
          %sub3A_409 = arith.subi %div3A_388, %sub3A_408 : i32
          %select_n3A_410 = arith.select %and3A_407, %sub3A_409, %div3A_388 : i32
          %mul3A_411 = arith.constant 19 : i32
          %mul3A_412 = arith.muli %select_n3A_410, %mul3A_411 : i32
          %sub3A_413 = arith.subi %scan3A_386, %mul3A_412 : i32
          %add3A_414 = arith.addi %mul3A_221, %select_n3A_410 : i32
          %jit3A_415 = arith.constant 199 : i32
          %div3A_416 = arith.divsi %add3A_414, %jit3A_415 : i32
          %sign3A_417 = arith.constant 0 : i32
          %sign3A_418 = arith.cmpi sgt, %add3A_414, %sign3A_417 : i32
          %sign3A_419 = arith.extui %sign3A_418 : i1 to i32
          %sign3A_420 = arith.constant 0 : i32
          %sign3A_421 = arith.cmpi slt, %add3A_414, %sign3A_420 : i32
          %sign3A_422 = arith.extui %sign3A_421 : i1 to i32
          %sign3A_423 = arith.subi %sign3A_419, %sign3A_422 : i32
          %sign3A_424 = arith.constant 0 : i32
          %sign3A_425 = arith.cmpi sgt, %jit3A_415, %sign3A_424 : i32
          %sign3A_426 = arith.extui %sign3A_425 : i1 to i32
          %sign3A_427 = arith.constant 0 : i32
          %sign3A_428 = arith.cmpi slt, %jit3A_415, %sign3A_427 : i32
          %sign3A_429 = arith.extui %sign3A_428 : i1 to i32
          %sign3A_430 = arith.subi %sign3A_426, %sign3A_429 : i32
          %ne3A_431 = arith.cmpi ne, %sign3A_423, %sign3A_430 : i32
          %rem3A_432 = arith.remsi %add3A_414, %jit3A_415 : i32
          %ne3A_433 = arith.constant 0 : i32
          %ne3A_434 = arith.cmpi ne, %rem3A_432, %ne3A_433 : i32
          %and3A_435 = arith.andi %ne3A_431, %ne3A_434 : i1
          %sub3A_436 = arith.constant 1 : i32
          %sub3A_437 = arith.subi %div3A_416, %sub3A_436 : i32
          %select_n3A_438 = arith.select %and3A_435, %sub3A_437, %div3A_416 : i32
          %mul3A_439 = arith.constant 190000 : i32
          %mul3A_440 = arith.muli %select_n3A_438, %mul3A_439 : i32
          %mul3A_441 = arith.constant 199 : i32
          %mul3A_442 = arith.muli %select_n3A_438, %mul3A_441 : i32
          %sub3A_443 = arith.subi %add3A_414, %mul3A_442 : i32
          %mul3A_444 = arith.constant 950 : i32
          %mul3A_445 = arith.muli %sub3A_443, %mul3A_444 : i32
          %add3A_446 = arith.addi %mul3A_440, %mul3A_445 : i32
          %sub3A_447 = arith.subi %add3A_446, %multiple_of3A_259 : i32
          %add3A_448 = arith.addi %sub3A_447, %sub3A_413 : i32
          %add3A_449 = vector.broadcast %add3A_448 : i32 to vector<16xi32>
          %add3A_450 = arith.addi %add3A_6, %add3A_449 : vector<16xi32>
          %gather3A_451 = tpu.vector_load_idx %arg5[%add3A_450] : memref<9512xf32, #tpu.memory_space<vmem>>[vector<16xi32>], vector<16xf32>,
          %swap3A_452 = arith.index_cast %scan3A_386 : i32 to index
          %swap3A_453 = arith.constant 0 : index
          %swap3A_454 = tpu.vector_load %arg7[%swap3A_452, %swap3A_453] {strides = array<i32>} : memref<152x100xf32, #tpu.memory_space<vmem>>, vector<16xf32>,
          tpu.vector_store %arg7[%swap3A_452, %swap3A_453], %gather3A_451 {strides = array<i32>} : memref<152x100xf32, #tpu.memory_space<vmem>>, vector<16xf32>,
          %add3A_455 = vector.broadcast %add3A_448 : i32 to vector<16xi32>
          %add3A_456 = arith.addi %add3A_12, %add3A_455 : vector<16xi32>
          %gather3A_457 = tpu.vector_load_idx %arg5[%add3A_456] : memref<9512xf32, #tpu.memory_space<vmem>>[vector<16xi32>], vector<16xf32>,
          %swap3A_458 = arith.index_cast %scan3A_386 : i32 to index
          %swap3A_459 = arith.constant 16 : index
          %swap3A_460 = tpu.vector_load %arg7[%swap3A_458, %swap3A_459] {strides = array<i32>} : memref<152x100xf32, #tpu.memory_space<vmem>>, vector<16xf32>,
          tpu.vector_store %arg7[%swap3A_458, %swap3A_459], %gather3A_457 {strides = array<i32>} : memref<152x100xf32, #tpu.memory_space<vmem>>, vector<16xf32>,
          %add3A_461 = vector.broadcast %add3A_448 : i32 to vector<16xi32>
          %add3A_462 = arith.addi %add3A_18, %add3A_461 : vector<16xi32>
          %gather3A_463 = tpu.vector_load_idx %arg5[%add3A_462] : memref<9512xf32, #tpu.memory_space<vmem>>[vector<16xi32>], vector<16xf32>,
          %swap3A_464 = arith.index_cast %scan3A_386 : i32 to index
          %swap3A_465 = arith.constant 32 : index
          %swap3A_466 = tpu.vector_load %arg7[%swap3A_464, %swap3A_465] {strides = array<i32>} : memref<152x100xf32, #tpu.memory_space<vmem>>, vector<16xf32>,
          tpu.vector_store %arg7[%swap3A_464, %swap3A_465], %gather3A_463 {strides = array<i32>} : memref<152x100xf32, #tpu.memory_space<vmem>>, vector<16xf32>,
          %add3A_467 = vector.broadcast %add3A_448 : i32 to vector<16xi32>
          %add3A_468 = arith.addi %add3A_24, %add3A_467 : vector<16xi32>
          %gather3A_469 = tpu.vector_load_idx %arg5[%add3A_468] : memref<9512xf32, #tpu.memory_space<vmem>>[vector<16xi32>], vector<16xf32>,
          %swap3A_470 = arith.index_cast %scan3A_386 : i32 to index
          %swap3A_471 = arith.constant 48 : index
          %swap3A_472 = tpu.vector_load %arg7[%swap3A_470, %swap3A_471] {strides = array<i32>} : memref<152x100xf32, #tpu.memory_space<vmem>>, vector<16xf32>,
          tpu.vector_store %arg7[%swap3A_470, %swap3A_471], %gather3A_469 {strides = array<i32>} : memref<152x100xf32, #tpu.memory_space<vmem>>, vector<16xf32>,
          %add3A_473 = vector.broadcast %add3A_448 : i32 to vector<16xi32>
          %add3A_474 = arith.addi %add3A_30, %add3A_473 : vector<16xi32>
          %gather3A_475 = tpu.vector_load_idx %arg5[%add3A_474] : memref<9512xf32, #tpu.memory_space<vmem>>[vector<16xi32>], vector<16xf32>,
          %swap3A_476 = arith.index_cast %scan3A_386 : i32 to index
          %swap3A_477 = arith.constant 64 : index
          %swap3A_478 = tpu.vector_load %arg7[%swap3A_476, %swap3A_477] {strides = array<i32>} : memref<152x100xf32, #tpu.memory_space<vmem>>, vector<16xf32>,
          tpu.vector_store %arg7[%swap3A_476, %swap3A_477], %gather3A_475 {strides = array<i32>} : memref<152x100xf32, #tpu.memory_space<vmem>>, vector<16xf32>,
          %add3A_479 = vector.broadcast %add3A_448 : i32 to vector<16xi32>
          %add3A_480 = arith.addi %add3A_36, %add3A_479 : vector<16xi32>
          %gather3A_481 = tpu.vector_load_idx %arg5[%add3A_480] : memref<9512xf32, #tpu.memory_space<vmem>>[vector<16xi32>], vector<16xf32>,
          %swap3A_482 = arith.index_cast %scan3A_386 : i32 to index
          %swap3A_483 = arith.constant 80 : index
          %swap3A_484 = tpu.vector_load %arg7[%swap3A_482, %swap3A_483] {strides = array<i32>} : memref<152x100xf32, #tpu.memory_space<vmem>>, vector<16xf32>,
          tpu.vector_store %arg7[%swap3A_482, %swap3A_483], %gather3A_481 {strides = array<i32>} : memref<152x100xf32, #tpu.memory_space<vmem>>, vector<16xf32>,
          %add3A_485 = vector.broadcast %add3A_448 : i32 to vector<16xi32>
          %add3A_486 = arith.addi %add3A_42, %add3A_485 : vector<16xi32>
          %gather3A_487 = tpu.vector_load_idx %arg5[%add3A_486] : memref<9512xf32, #tpu.memory_space<vmem>>[vector<16xi32>], vector<16xf32>,
          %swap3A_488 = arith.index_cast %scan3A_386 : i32 to index
          %swap3A_489 = arith.constant 84 : index
          %swap3A_490 = tpu.vector_load %arg7[%swap3A_488, %swap3A_489] {strides = array<i32>} : memref<152x100xf32, #tpu.memory_space<vmem>>, vector<16xf32>,
          tpu.vector_store %arg7[%swap3A_488, %swap3A_489], %gather3A_487 {strides = array<i32>} : memref<152x100xf32, #tpu.memory_space<vmem>>, vector<16xf32>,
        }
        %scan3A_275 = arith.constant 152 : i32
        %mul3A_276 = arith.constant 152 : i32
        %mul3A_277 = arith.muli %add3A_208, %mul3A_276 : i32
        %dma_start3A_278 = arith.constant 0 : i32
        %dma_start3A_279 = tpu.memref_slice %arg3[%mul3A_277, %dma_start3A_278] : memref<241984x100xf32, #tpu.memory_space<hbm>> -> memref<152x100xf32, #tpu.memory_space<hbm>>
        %dma_start3A_280 = arith.constant 0 : i32
        %dma_start3A_281 = tpu.memref_slice %arg3[%mul3A_277, %dma_start3A_280] : memref<241984x100xf32, #tpu.memory_space<hbm>> -> memref<152x100xf32, #tpu.memory_space<hbm>>
        tpu.enqueue_dma source(%arg7 : memref<152x100xf32, #tpu.memory_space<vmem>>) target(%dma_start3A_281 : memref<152x100xf32, #tpu.memory_space<hbm>>) target_semaphore(%arg11 : memref<!tpu.dma_semaphore, #tpu.memory_space<semaphore_mem>>)
      } else {
      }
      %add3A_263 = arith.constant 64 : i32
      %add3A_264 = arith.addi %add3A_208, %add3A_263 : i32
      %lt3A_265 = arith.constant 1592 : i32
      %lt3A_266 = arith.cmpi slt, %add3A_264, %lt3A_265 : i32
      %convert_element_type3A_267 = arith.extui %lt3A_266 : i1 to i32
      %cond3A_268 = arith.constant 0 : i32
      %cond3A_269 = arith.cmpi ne, %convert_element_type3A_267, %cond3A_268 : i32
      scf.if %cond3A_269 {
        %add3A_270 = arith.constant 64 : i32
        %add3A_271 = arith.addi %add3A_208, %add3A_270 : i32
        %mul3A_272 = arith.constant 8 : i32
        %mul3A_273 = arith.muli %add3A_271, %mul3A_272 : i32
        %jit3A_274 = arith.constant 199 : i32
        %div3A_275 = arith.divsi %mul3A_273, %jit3A_274 : i32
        %sign3A_276 = arith.constant 0 : i32
        %sign3A_277 = arith.cmpi sgt, %mul3A_273, %sign3A_276 : i32
        %sign3A_278 = arith.extui %sign3A_277 : i1 to i32
        %sign3A_279 = arith.constant 0 : i32
        %sign3A_280 = arith.cmpi slt, %mul3A_273, %sign3A_279 : i32
        %sign3A_281 = arith.extui %sign3A_280 : i1 to i32
        %sign3A_282 = arith.subi %sign3A_278, %sign3A_281 : i32
        %sign3A_283 = arith.constant 0 : i32
        %sign3A_284 = arith.cmpi sgt, %jit3A_274, %sign3A_283 : i32
        %sign3A_285 = arith.extui %sign3A_284 : i1 to i32
        %sign3A_286 = arith.constant 0 : i32
        %sign3A_287 = arith.cmpi slt, %jit3A_274, %sign3A_286 : i32
        %sign3A_288 = arith.extui %sign3A_287 : i1 to i32
        %sign3A_289 = arith.subi %sign3A_285, %sign3A_288 : i32
        %ne3A_290 = arith.cmpi ne, %sign3A_282, %sign3A_289 : i32
        %rem3A_291 = arith.remsi %mul3A_273, %jit3A_274 : i32
        %ne3A_292 = arith.constant 0 : i32
        %ne3A_293 = arith.cmpi ne, %rem3A_291, %ne3A_292 : i32
        %and3A_294 = arith.andi %ne3A_290, %ne3A_293 : i1
        %sub3A_295 = arith.constant 1 : i32
        %sub3A_296 = arith.subi %div3A_275, %sub3A_295 : i32
        %select_n3A_297 = arith.select %and3A_294, %sub3A_296, %div3A_275 : i32
        %mul3A_298 = arith.constant 190000 : i32
        %mul3A_299 = arith.muli %select_n3A_297, %mul3A_298 : i32
        %mul3A_300 = arith.constant 199 : i32
        %mul3A_301 = arith.muli %select_n3A_297, %mul3A_300 : i32
        %sub3A_302 = arith.subi %mul3A_273, %mul3A_301 : i32
        %mul3A_303 = arith.constant 950 : i32
        %mul3A_304 = arith.muli %sub3A_302, %mul3A_303 : i32
        %add3A_305 = arith.addi %mul3A_299, %mul3A_304 : i32
        %rem3A_306 = arith.constant 8 : i32
        %rem3A_307 = arith.remsi %add3A_305, %rem3A_306 : i32
        %sub3A_308 = arith.subi %add3A_305, %rem3A_307 : i32
        %min3A_309 = arith.constant 12150488 : i32
        %min3A_310 = arith.minsi %sub3A_308, %min3A_309 : i32
        %multiple_of3A_311 = tpu.assume_multiple %min3A_310, 8 : i32
        %dma_start3A_312 = tpu.memref_slice %arg2[%multiple_of3A_311] : memref<12160000xf32, #tpu.memory_space<hbm>> -> memref<9512xf32, #tpu.memory_space<hbm>>
        %dma_start3A_313 = tpu.memref_slice %arg2[%multiple_of3A_311] : memref<12160000xf32, #tpu.memory_space<hbm>> -> memref<9512xf32, #tpu.memory_space<hbm>>
        tpu.enqueue_dma source(%dma_start3A_313 : memref<9512xf32, #tpu.memory_space<hbm>>) target(%arg5 : memref<9512xf32, #tpu.memory_space<vmem>>) target_semaphore(%arg9 : memref<!tpu.dma_semaphore, #tpu.memory_space<semaphore_mem>>)
      } else {
      }
    }
    %scan3A_122 = arith.constant 25 : i32
    %add3A_123 = arith.constant 1536 : i32
    %add3A_124 = arith.addi %add3A, %add3A_123 : i32
    %lt3A = arith.constant 1592 : i32
    %lt3A_125 = arith.cmpi slt, %add3A_124, %lt3A : i32
    %convert_element_type3A = arith.extui %lt3A_125 : i1 to i32
    %cond3A = arith.constant 0 : i32
    %cond3A_126 = arith.cmpi ne, %convert_element_type3A, %cond3A : i32
    scf.if %cond3A_126 {
      %mul3A_134 = arith.constant 152 : i32
      %mul3A_135 = arith.muli %add3A_124, %mul3A_134 : i32
      %dma_wait3A = arith.constant 0 : i32
      %dma_wait3A_136 = tpu.memref_slice %arg3[%mul3A_135, %dma_wait3A] : memref<241984x100xf32, #tpu.memory_space<hbm>> -> memref<152x100xf32, #tpu.memory_space<hbm>>
      %dma_wait3A_137 = arith.constant 0 : i32
      %dma_wait3A_138 = tpu.memref_slice %arg3[%mul3A_135, %dma_wait3A_137] : memref<241984x100xf32, #tpu.memory_space<hbm>> -> memref<152x100xf32, #tpu.memory_space<hbm>>
      tpu.wait_dma2 semaphore(%arg10 : memref<!tpu.dma_semaphore, #tpu.memory_space<semaphore_mem>>) src(%arg6 : memref<152x100xf32, #tpu.memory_space<vmem>>) dst(%dma_wait3A_138 : memref<152x100xf32, #tpu.memory_space<hbm>>)
    } else {
    }
    %add3A_127 = arith.constant 1568 : i32
    %add3A_128 = arith.addi %add3A, %add3A_127 : i32
    %lt3A_129 = arith.constant 1592 : i32
    %lt3A_130 = arith.cmpi slt, %add3A_128, %lt3A_129 : i32
    %convert_element_type3A_131 = arith.extui %lt3A_130 : i1 to i32
    %cond3A_132 = arith.constant 0 : i32
    %cond3A_133 = arith.cmpi ne, %convert_element_type3A_131, %cond3A_132 : i32
    scf.if %cond3A_133 {
      %mul3A_134 = arith.constant 152 : i32
      %mul3A_135 = arith.muli %add3A_128, %mul3A_134 : i32
      %dma_wait3A = arith.constant 0 : i32
      %dma_wait3A_136 = tpu.memref_slice %arg3[%mul3A_135, %dma_wait3A] : memref<241984x100xf32, #tpu.memory_space<hbm>> -> memref<152x100xf32, #tpu.memory_space<hbm>>
      %dma_wait3A_137 = arith.constant 0 : i32
      %dma_wait3A_138 = tpu.memref_slice %arg3[%mul3A_135, %dma_wait3A_137] : memref<241984x100xf32, #tpu.memory_space<hbm>> -> memref<152x100xf32, #tpu.memory_space<hbm>>
      tpu.wait_dma2 semaphore(%arg11 : memref<!tpu.dma_semaphore, #tpu.memory_space<semaphore_mem>>) src(%arg7 : memref<152x100xf32, #tpu.memory_space<vmem>>) dst(%dma_wait3A_138 : memref<152x100xf32, #tpu.memory_space<hbm>>)
    } else {
    }
    return
  }
}

module attributes {stable_mosaic.version = 14 : i64} {
  func.func @_bv_kernel(%arg0: memref<241984xi32, #tpu.memory_space<vmem>>) attributes {dimension_semantics = [], scalar_prefetch = 0 : i64, scratch_operands = 0 : i64, tpu.core_type = #tpu.core_type<tc>} {
    %iota3A = tpu.iota {dimensions = array<i32: 1>} : vector<1x241984xi32>
    %iota3A_0 = vector.shape_cast %iota3A : vector<1x241984xi32> to vector<241984xi32>
    %jit3A = arith.constant 19 : i32
    %div3A = vector.broadcast %jit3A : i32 to vector<241984xi32>
    %div3A_1 = arith.divsi %iota3A_0, %div3A : vector<241984xi32>
    %sign3A = arith.constant 0 : i32
    %sign3A_2 = vector.broadcast %sign3A : i32 to vector<241984xi32>
    %sign3A_3 = arith.cmpi sgt, %iota3A_0, %sign3A_2 : vector<241984xi32>
    %sign3A_4 = arith.extui %sign3A_3 : vector<241984xi1> to vector<241984xi32>
    %sign3A_5 = arith.constant 0 : i32
    %sign3A_6 = vector.broadcast %sign3A_5 : i32 to vector<241984xi32>
    %sign3A_7 = arith.cmpi slt, %iota3A_0, %sign3A_6 : vector<241984xi32>
    %sign3A_8 = arith.extui %sign3A_7 : vector<241984xi1> to vector<241984xi32>
    %sign3A_9 = arith.subi %sign3A_4, %sign3A_8 : vector<241984xi32>
    %sign3A_10 = arith.constant 0 : i32
    %sign3A_11 = arith.cmpi sgt, %jit3A, %sign3A_10 : i32
    %sign3A_12 = arith.extui %sign3A_11 : i1 to i32
    %sign3A_13 = arith.constant 0 : i32
    %sign3A_14 = arith.cmpi slt, %jit3A, %sign3A_13 : i32
    %sign3A_15 = arith.extui %sign3A_14 : i1 to i32
    %sign3A_16 = arith.subi %sign3A_12, %sign3A_15 : i32
    %ne3A = vector.broadcast %sign3A_16 : i32 to vector<241984xi32>
    %ne3A_17 = arith.cmpi ne, %sign3A_9, %ne3A : vector<241984xi32>
    %rem3A = vector.broadcast %jit3A : i32 to vector<241984xi32>
    %rem3A_18 = arith.remsi %iota3A_0, %rem3A : vector<241984xi32>
    %ne3A_19 = arith.constant 0 : i32
    %ne3A_20 = vector.broadcast %ne3A_19 : i32 to vector<241984xi32>
    %ne3A_21 = arith.cmpi ne, %rem3A_18, %ne3A_20 : vector<241984xi32>
    %and3A = arith.andi %ne3A_17, %ne3A_21 : vector<241984xi1>
    %sub3A = arith.constant 1 : i32
    %sub3A_22 = vector.broadcast %sub3A : i32 to vector<241984xi32>
    %sub3A_23 = arith.subi %div3A_1, %sub3A_22 : vector<241984xi32>
    %select_n3A = arith.select %and3A, %sub3A_23, %div3A_1 : vector<241984xi1>, vector<241984xi32>
    %swap3A = arith.constant 0 : index
    %swap3A_24 = vector.load %arg0[%swap3A] : memref<241984xi32, #tpu.memory_space<vmem>>, vector<241984xi32>
    tpu.vector_store %arg0[%swap3A], %select_n3A {strides = array<i32>} : memref<241984xi32, #tpu.memory_space<vmem>>, vector<241984xi32>,
    return
  }
}

module attributes {stable_mosaic.version = 14 : i64} {
  func.func @_lambda_(%arg0: i32, %arg1: memref<2x54272xi32, #tpu.memory_space<vmem>>, %arg2: memref<54272xf32, #tpu.memory_space<vmem>>, %arg3: memref<2x54272xi32, #tpu.memory_space<vmem>>, %arg4: memref<54272xf32, #tpu.memory_space<vmem>>) attributes {dimension_semantics = [#tpu.dimension_semantics<arbitrary>], iteration_bounds = array<i64: 50>, scalar_prefetch = 0 : i64, scratch_operands = 0 : i64, tpu.core_type = #tpu.core_type<tc>, window_params = [{pipeline_mode = #tpu.pipeline_mode<synchronous>, transform_indices = @transform_0, window_bounds = array<i64: 2, 54272>}, {pipeline_mode = #tpu.pipeline_mode<synchronous>, transform_indices = @transform_1, window_bounds = array<i64: 54272>}, {transform_indices = @transform_2, window_bounds = array<i64: 2, 54272>}, {transform_indices = @transform_3, window_bounds = array<i64: 54272>}]} {
    %get3A = arith.constant 0 : index
    %get3A_0 = arith.constant 0 : index
    %get3A_1 = vector.load %arg1[%get3A, %get3A_0] : memref<2x54272xi32, #tpu.memory_space<vmem>>, vector<2x54272xi32>
    %mul3A = arith.constant 4864 : i32
    %mul3A_2 = arith.muli %arg0, %mul3A : i32
    %add3A = vector.broadcast %mul3A_2 : i32 to vector<2x54272xi32>
    %add3A_3 = arith.addi %get3A_1, %add3A : vector<2x54272xi32>
    %swap3A = arith.constant 0 : index
    %swap3A_4 = arith.constant 0 : index
    %swap3A_5 = vector.load %arg3[%swap3A, %swap3A_4] : memref<2x54272xi32, #tpu.memory_space<vmem>>, vector<2x54272xi32>
    tpu.vector_store %arg3[%swap3A, %swap3A_4], %add3A_3 {strides = array<i32>} : memref<2x54272xi32, #tpu.memory_space<vmem>>, vector<2x54272xi32>,
    %get3A_6 = arith.constant 0 : index
    %get3A_7 = vector.load %arg2[%get3A_6] : memref<54272xf32, #tpu.memory_space<vmem>>, vector<54272xf32>
    %swap3A_8 = arith.constant 0 : index
    %swap3A_9 = vector.load %arg4[%swap3A_8] : memref<54272xf32, #tpu.memory_space<vmem>>, vector<54272xf32>
    tpu.vector_store %arg4[%swap3A_8], %get3A_7 {strides = array<i32>} : memref<54272xf32, #tpu.memory_space<vmem>>, vector<54272xf32>,
    return
  }
  func.func @transform_0(%arg0: i32) -> (i32, i32) {
    %c0_i32 = arith.constant 0 : i32
    %c0_i32_0 = arith.constant 0 : i32
    %c0_i32_1 = arith.constant 0 : i32
    return %c0_i32, %c0_i32_0 : i32, i32
  }
  func.func @transform_1(%arg0: i32) -> i32 {
    %c0_i32 = arith.constant 0 : i32
    %c0_i32_0 = arith.constant 0 : i32
    return %c0_i32 : i32
  }
  func.func @transform_2(%arg0: i32) -> (i32, i32) {
    %c0_i32 = arith.constant 0 : i32
    %c0_i32_0 = arith.constant 0 : i32
    return %c0_i32, %arg0 : i32, i32
  }
  func.func @transform_3(%arg0: i32) -> i32 {
    %c0_i32 = arith.constant 0 : i32
    return %arg0 : i32
  }
}

</mosaic_0001>

<sc_bundles>
// kernel: kernel.5.cloned.1.call-start
scs
__scs_entry_jumppad:
0x0: {  	(pc) =	sbr.rel $0x88, $3  }
0x1: {  	(tag) =	ssettag $0x0;
	lr =	simm.s32 $0x1  }
0x2: {  	[smem:$0x3F9E] =	sst lr;
	_ =	strace $0xD0000000  }
0x3: {  	_ = 	snop  }
0x4: {  	_ = 	snop  }
0x5: {  	_ = 	snop  }
0x6: {  	_ = 	snop  }
0x7: {  	_ = 	snop  }
__scs_overlays_trampoline_lowered:
0x8: {  	[smem:$0x3FAD] =	sst s0  }
0x9: {  	[smem:$0x3FAE] =	sst s1  }
0xa: {  	[smem:$0x3FAF] =	sst s2  }
0xb: {  	[smem:$0x3FB0] =	sst s3  }
0xc: {  	[smem:$0x3FB1] =	sst s4  }
0xd: {  	[smem:$0x3FB2] =	sst s5  }
0xe: {  	[smem:$0x3FB3] =	sst s6  }
0xf: {  	[smem:$0x3FB4] =	sst s7  }
0x10: {  	[smem:$0x3FB5] =	sst s8  }
0x11: {  	[smem:$0x3FB6] =	sst s9;
	s0 =	simm.s32 @!p0 $0x0  }
0x12: {  	s1 =	sld [smem:$0x3F9C];
	s0 =	simm.s32 @p0 $0x1  }
0x13: {  	[smem:$0x3FB7] =	sst s0;
	s0 =	simm.s32 @!p1 $0x0  }
0x14: {  	s2 =	sld [smem:$0x3F9B];
	s0 =	simm.s32 @p1 $0x1  }
0x15: {  	[smem:$0x3FB8] =	sst s0;
	s0 =	simm.s32 @!p2 $0x0  }
0x16: {  	s3 =	sld [smem:$0x3FDB];
	s0 =	simm.s32 @p2 $0x1  }
0x17: {  	s4 =	simm.s32 $0x1BF5;
	[smem:$0x3FBA] =	sst s0  }
0x18: {  	s0 =	sld [smem:$0x3F9D];
	_ =	swait.ge [sflag:s4], $0x0  }
0x19: {  	s7 =	sld [smem:$0x3F9E]  }
0x1a: {  	s8 =	sadd.s32 $0xFFFFE003, lr  }
0x1b: {  	s9 =	sadd.s32 $0xFFFFFEF7, lr;
	s5 =	simm.s32 $0xFFFFFFFF;
	p2 =	slt.u32 s8, $0xFFFFF086  }
0x1c: {  	p1 =	slt.u32 s9, $0xF7A;
	s5 =	simm.s32 @!p2 $0x0  }
0x1d: {  	s5 =	simm.s32 @p1 $0x1;
	p0 =	seq.s32 s7, s2  }
0x1e: {  	s7 =	smul.u32 @!p0 $0xF7A, s2;
	p2 =	seq.s32 @!p0 s5, $0x0  }
0x1f: {  	s9 =	smul.u32 $0xF7A, s1;
	s8 =	simm.s32 @!p0 $0x1BF5;
	p2 =	por !p2, p0  }
0x20: {  	[sflag:s8] =	ssyncset.s32 @!p0 $0xFFFFF086;
	s6 =	sadd.s32 @!p0 s3, s7;
	s7 =	simm.s32 @!p0 $0x108  }
0x21: {  	s3 =	sadd.s32 s3, s9;
	s6 =	sadd.s32 @!p0 $0x88, s6;
	s7 =	simm.s32 @p2 $0x1082  }
0x22: {  	[simem:s7], [sflag:s8] =	dma.local @!p0 [hbm:s6], $0xF7A  }
0x23: {  	s9 =	sor.u32 $0xD0000000, s2;
	s6 =	simm.s32 $0x108;
	_ =	swait.ge @!p0 [sflag:s8], $0x0  }
0x24: {  	s3 =	sadd.s32 $0x88, s3;
	s6 =	simm.s32 @!p1 $0x1082;
	[sflag:s4] =	ssyncset.s32 $0xFFFFF086  }
0x25: {  	[simem:s6], [sflag:s4] =	dma.local [hbm:s3], $0xF7A  }
0x26: {  	[smem:$0x3F9E] =	sst s1;
	(tag) =	ssettag s2;
	_ =	strace s9  }
0x27: {  	s1 =	sld [smem:$0x3FAE]  }
0x28: {  	s2 =	sld [smem:$0x3FAF]  }
0x29: {  	s4 =	sld [smem:$0x3FB1]  }
0x2a: {  	p0 =	seq.s32 s5, $0x0;
	s5 =	sld [smem:$0x3FB2]  }
0x2b: {  	s6 =	sld [smem:$0x3FB3]  }
0x2c: {  	s7 =	sld [smem:$0x3FB4]  }
0x2d: {  	s3 =	simm.s32 $0x108;
	s8 =	sld [smem:$0x3FB5]  }
0x2e: {  	s3 =	simm.s32 @!p0 $0x1082;
	s9 =	sld [smem:$0x3FB6]  }
0x2f: {  	lr =	sadd.s32 s0, s3;
	s0 =	sld [smem:$0x3FAD]  }
0x30: {  	s3 =	sld [smem:$0x3FB0]  }
0x31: {  	[smem:$0x3FB9] =	sst s10  }
0x32: {  	s10 =	sld [smem:$0x3FB7];
	_ =	sdelay $0x3  }
0x33: {  	p0 =	seq.s32 s10, $0x1;
	s10 =	sld [smem:$0x3FB9];
	_ =	sdelay $0x3  }
0x34: {  	[smem:$0x3FB9] =	sst s10  }
0x35: {  	s10 =	sld [smem:$0x3FB8];
	_ =	sdelay $0x3  }
0x36: {  	p1 =	seq.s32 s10, $0x1;
	s10 =	sld [smem:$0x3FB9];
	_ =	sdelay $0x3  }
0x37: {  	[smem:$0x3FB9] =	sst s10  }
0x38: {  	s10 =	sld [smem:$0x3FBA]  }
0x39: {  	_ = 	snop;
	(pc) =	sbr.ind lr, $3  }
0x3a: {  	_ = 	snop  }
0x3b: {  	_ = 	snop  }
0x3c: {  	p2 =	seq.s32 s10, $0x1;
	s10 =	sld [smem:$0x3FB9]  }
0x3d: {  	_ =	shalt  }
0x3e: {  	_ =	shalt  }
0x3f: {  	_ =	shalt  }
0x40: {  	_ =	shalt  }
0x41: {  	_ =	shalt  }
0x42: {  	_ =	shalt  }
0x43: {  	_ =	shalt  }
0x44: {  	_ =	shalt  }
0x45: {  	_ =	shalt  }
0x46: {  	_ =	shalt  }
0x47: {  	_ =	shalt  }
0x48: {  	_ =	shalt  }
0x49: {  	_ =	shalt  }
0x4a: {  	_ =	shalt  }
0x4b: {  	_ =	shalt  }
0x4c: {  	_ =	shalt  }
0x4d: {  	_ =	shalt  }
0x4e: {  	_ =	shalt  }
0x4f: {  	_ =	shalt  }
0x50: {  	_ =	shalt  }
0x51: {  	_ =	shalt  }
0x52: {  	_ =	shalt  }
0x53: {  	_ =	shalt  }
0x54: {  	_ =	shalt  }
0x55: {  	_ =	shalt  }
0x56: {  	_ =	shalt  }
0x57: {  	_ =	shalt  }
0x58: {  	_ =	shalt  }
0x59: {  	_ =	shalt  }
0x5a: {  	_ =	shalt  }
0x5b: {  	_ =	shalt  }
0x5c: {  	_ =	shalt  }
0x5d: {  	_ =	shalt  }
0x5e: {  	_ =	shalt  }
0x5f: {  	_ =	shalt  }
0x60: {  	_ =	shalt  }
0x61: {  	_ =	shalt  }
0x62: {  	_ =	shalt  }
0x63: {  	_ =	shalt  }
0x64: {  	_ =	shalt  }
0x65: {  	_ =	shalt  }
0x66: {  	_ =	shalt  }
0x67: {  	_ =	shalt  }
0x68: {  	_ =	shalt  }
0x69: {  	_ =	shalt  }
0x6a: {  	_ =	shalt  }
0x6b: {  	_ =	shalt  }
0x6c: {  	_ =	shalt  }
0x6d: {  	_ =	shalt  }
0x6e: {  	_ =	shalt  }
0x6f: {  	_ =	shalt  }
0x70: {  	_ =	shalt  }
0x71: {  	_ =	shalt  }
0x72: {  	_ =	shalt  }
0x73: {  	_ =	shalt  }
0x74: {  	_ =	shalt  }
0x75: {  	_ =	shalt  }
0x76: {  	_ =	shalt  }
0x77: {  	_ =	shalt  }
0x78: {  	_ =	shalt  }
0x79: {  	_ =	shalt  }
0x7a: {  	_ =	shalt  }
0x7b: {  	_ =	shalt  }
0x7c: {  	_ =	shalt  }
0x7d: {  	_ =	shalt  }
0x7e: {  	_ =	shalt  }
0x7f: {  	_ =	shalt  }
0x80: {  	_ =	shalt  }
0x81: {  	_ =	shalt  }
0x82: {  	_ =	shalt  }
0x83: {  	_ =	shalt  }
0x84: {  	_ =	shalt  }
0x85: {  	_ =	shalt  }
0x86: {  	_ =	shalt  }
0x87: {  	_ =	shalt  }
.Lfunc_end0:
.L_simem_size_0:
called_computation_lowered:
.L_overlay_start_0:
0x88: {  	s2 =	sld [smem:$0x3FD9]  }
0x89: {  	s3 =	sld [smem:$0x3FFE];
	_ =	sdelay $0x1  }
0x8a: {  	s1 =	srdreg.scid  }
0x8b: {  	s0 =	sand.u32 $0x1, s1  }
0x8c: {  	s14 =	sshll.u32 s0, $0xA;
	s2 =	sadd.s32 s3, s2  }
0x8d: {  	s2 =	sadd.s32 s2, s14  }
0x8e: {  	[smem:$0x3FC5] =	sst s2  }
0x8f: {  	_ = 	snop  }
0x90: {  	s2 =	sld [smem:$0x3FD0];
	_ =	sdelay $0x2  }
0x91: {  	s15 =	simm.s32 $0xA;
	s4 =	simm.s32 $0x10  }
0x92: {  	[smem:s4], [sflag:s15] =	dma.local [hbm:s2], $0x1  }
0x93: {  	_ =	swait.eq [sflag:s15], $0x1  }
0x94: {  	[sflag:s15] =	ssyncset.done $0x0  }
0x95: {  	[sflag:s15] =	ssyncadd.s32 $0xFFFFFFFF  }
0x96: {  	s16 =	sld [smem:$0x10];
	(tm) =	ssettm $0x1  }
0x97: {  	s17 =	sld [smem:$0x3FFB];
	_ =	sdelay $0x3  }
0x98: {  	_ =	strace s17  }
0x99: {  	s3 =	sld [smem:$0x3FFC];
	_ =	sdelay $0x3  }
0x9a: {  	_ =	strace s3  }
0x9b: {  	s3 =	sld [smem:$0x3FFD];
	_ =	sdelay $0x3  }
0x9c: {  	_ =	strace s3  }
0x9d: {  	_ =	strace $0x8FFFFFFF  }
0x9e: {  	s18 =	sld [smem:$0x3FDB];
	_ =	sdelay $0x1  }
0x9f: {  	s19 =	simm.s32 $_scs_section_size  }
0xa0: {  	s5 =	simm.s32 $_size__tile_overlayer_lowered;
	s6 =	simm.s32 $_tile_overlayer_lowered  }
0xa1: {  	s22 =	simm.s32 $0x1BFF;
	s21 =	sshll.u32 s6, $0x1;
	s3 =	sadd.s32 s19, s18  }
0xa2: {  	s7 =	simm.s32 $0x0;
	s20 =	sshll.u32 s5, $0x1;
	s5 =	sadd.s32 s21, s3  }
0xa3: {  	[timem:s7], [sflag:s22] =	dma.local [hbm:s5], s20  }
0xa4: {  	_ =	swait.ge [sflag:s22], s20  }
0xa5: {  	s4 =	ssub.s32 $0x0, s20;
	[sflag:s22] =	ssyncset.done $0x0  }
0xa6: {  	[sflag:s22] =	ssyncadd.s32 s4;
	_ =	sdelay $0x1  }
0xa7: {  	s23 =	simm.s32 $0x1B8B  }
0xa8: {  	_ =	swait.ge [sflag:s23], $0x1  }
0xa9: {  	[sflag:s23] =	ssyncset.done $0x0  }
0xaa: {  	s25 =	simm.s32 $0x1B8E;
	s24 =	sld [smem:$0x3FFE];
	[sflag:s23] =	ssyncadd.s32 $0xFFFFFFFF  }
0xab: {  	s26 =	simm.s32 $execute0_lowered;
	[smem:$0x3FD2] =	sst s25  }
0xac: {  	s5 =	sshll.u32 s26, $0x1;
	_ =	strace $0x80000046;
	[dreg:$0x1] =	wrdreg $0xFFFFFFFF  }
0xad: {  	s28 =	simm.s32 $_size_execute0_lowered;
	s3 =	sadd.s32 s3, s5;
	[dreg:$0x0] =	wrdreg $0x0  }
0xae: {  	s5 =	sshll.u32 s28, $0x1;
	[dreg:$0x2] =	wrdreg s3  }
0xaf: {  	[dreg:$0x3] =	wrdreg s5  }
0xb0: {  	[dreg:$0x4] =	wrdreg $0xC0  }
0xb1: {  	_ =	task [dreg:s7], $0x5FFFF  }
0xb2: {  	[dreg:$0x1] =	wrdreg $0xFFFFFFFF  }
0xb3: {  	[dreg:$0x0] =	wrdreg $0x60  }
0xb4: {  	[dreg:$0x2] =	wrdreg s16  }
0xb5: {  	[dreg:$0x3] =	wrdreg s24  }
0xb6: {  	[dreg:$0x4] =	wrdreg $0x9  }
0xb7: {  	_ =	task.clear_ibuf [dreg:s7], $0x5FFFF;
	_ =	strace $0x90000046  }
0xb8: {  	s29 =	simm.s32 $0x9;
	_ =	strace $0x80000048  }
0xb9: {  	_ =	swait.ge [sflag:s29], $0x1  }
0xba: {  	[sflag:s29] =	ssyncadd.s32 $0xFFFFFFFF  }
0xbb: {  	_ =	strace $0x90000048  }
0xbc: {  	_ =	sfence  }
0xbd: {  	s30 =	sld [smem:$0x0];
	_ =	sdelay $0x2  }
0xbe: {  	s31 =	sshll.u32 s1, $0xD;
	s1 =	sshrl.u32 s1, $0x2  }
0xbf: {  	s3 =	sand.u32 $0x4000, s31;
	s1 =	sadd.s32 s1, s30  }
0xc0: {  	s0 =	sor.u32 s3, s0;
	s1 =	sshll.u32 s1, $0x11  }
0xc1: {  	s0 =	sor.u32 s1, s0  }
0xc2: {  	s0 =	sadd.s32 $0x8F2B, s0  }
0xc3: {  	[sflag:s0] =	ssyncadd.remote.s32 $0x1  }
0xc4: {  	_ =	sfence.sel $0xFFFF  }
0xc5: {  	[dreg:$0x0] =	wrdreg $0xFFFFFFFF;
	(pc) =	sbr.abs _section_cstart, $3  }
0xc6: {  	[dreg:$0x1] =	wrdreg $0xFFFFFFFF  }
0xc7: {  	_ =	task.clear_ibuf [dreg:s7], $0x2FFFF;
	_ =	strace $0x9FFFFFFF  }
0xc8: {  	(tm) =	ssettm $0x7FFFFFFF  }
0xc9: {  	_ =	shalt  }
tec
execute0_lowered:
.L_overlay_start_1:
0x0: {  	(tag) =	ssettag $0x1  }
0x1: {  	s0 =	srdreg.scid;
	s2 =	rddreg [dreg:$0x0]  }
0x2: {  	s18 =	stileid.u32;
	s5 =	rddreg [dreg:$0x1]  }
0x3: {  	s6 =	simm.s32 $0xFFFFFF39;
	s4 =	simm.s32 $0x0;
	s13 =	simm.s32 $0x2580  }
0x4: {  	s14 =	simm.s32 $0x1;
	s15 =	simm.s32 $0x4B00;
	s16 =	simm.s32 $0x2  }
0x5: {  	s17 =	simm.s32 $0x9700;
	s19 =	simm.s32 $0x0;
	s0 =	sand.u32 $0x1, s0  }
0x6: {  	s1 =	sshll.u32 s18, $0x1;
	[smem:$0x7FF] =	sst s4;
	s5 =	sadd.s32 $0xA00, s5  }
0x7: {  	s30 =	smul.u32 $0x3B60, s18;
	s3 =	sor.u32 s0, s1;
	s10 =	ssub.s32 $0x2, s0  }
0x8: {  	s12 =	sshll.u32 s0, $0x3;
	s1 =	sshll.u32 s3, $0x3;
	p0 =	sgt.u32 s3, $0x18  }
0x9: {  	s0 =	smul.u32 $0x1DB0, s0;
	s7 =	sor.u32 $0x100, s1;
	s6 =	simm.s32 @!p0 $0x0  }
0xa: {  	s11 =	sshll.u32 s18, $0x4;
	s8 =	smul.u32 $0x14A, s7;
	s1 =	sadd.s32 s1, s6  }
0xb: {  	_ =	strace $0x80000047;
	s6 =	simm.s32 $0x2E630;
	s1 =	smul.u32 $0x3B6, s1  }
0xc: {  	s28 =	smul.u32 $0x1DB0, s3;
	s6 =	simm.s32 @!p0 $0x0;
	s8 =	sshrl.u32 s8, $0x10  }
0xd: {  	s25 =	sshrl.u32 s10, $0x1;
	s9 =	smul.u32 $0xFFFFFF39, s8;
	s1 =	sadd.s32 s6, s1  }
0xe: {  	s0 =	sadd.s32 s0, s30;
	p0 =	sgt.u32 s18, $0xB;
	s6 =	sshra.s32 s1, $0x1F  }
0xf: {  	s8 =	smul.u32 $0x2E630, s8;
	s7 =	sadd.s32 s7, s9;
	s6 =	sshrl.u32 s6, $0x1D  }
0x10: {  	s18 =	simm.s32 $0x3;
	s7 =	smul.u32 $0x3B6, s7;
	s1 =	sadd.s32 s6, s1  }
0x11: {  	s9 =	ssub.s32 s10, s25;
	s10 =	sadd.s32 $0x3B600, s28;
	s1 =	sand.u32 $0xFFFFFFF8, s1  }
.Ltmp0:
0x12: {  	v0 =	vlaneseq.u32;
	s26 =	sadd.s32 s8, s7;
	s7 =	sand.u32 $0x6, s7;
	(pc) =	sbr.rel .LBB2_1-.Ltmp0, $4  }
0x13: {  	v0 =	vmul.u32 $0x13, v0;
	s31 =	smax.u32 s9, $0x1;
	s1 =	sshrl.u32 s1, $0x3;
	s6 =	ssub.s32 s26, s7  }
0x14: {  	[dreg:$0x7] =	wrdreg s31;
	s1 =	sadd.s32 s2, s1;
	s29 =	sshrl.u32 s6, $0x3  }
0x15: {  	v1 =	vadd.s32 $0x130, v0;
	v2 =	vadd.s32 $0x260, v0;
	v3 =	vadd.s32 $0x390, v0;
	s9 =	sor.u32 s12, s11;
	[dreg:$0x5] =	wrdreg s1;
	s1 =	sadd.s32 s2, s29  }
0x16: {  	v4 =	vadd.s32 $0x4C0, v0;
	v5 =	vadd.s32 $0x5F0, v0;
	v6 =	vadd.s32 $0x63C, v0;
	s12 =	sadd.s32 $0x3B601, s0;
	s11 =	sor.u32 $0x100, s9;
	[dreg:$0x6] =	wrdreg s1  }
.LBB2_9:
0x17: {  	_ =	swait.ge [sflag:s18], $0x4C00  }
0x18: {  	[sflag:s18] =	ssyncset.done $0x0  }
0x19: {  	s0 =	simm.s32 @!p0 $0x4;
	[sflag:s18] =	ssyncadd.s32 $0xFFFFB400  }
0x1a: {  	_ =	swait.ge @!p0 [sflag:s0], $0x4C00  }
0x1b: {  	s19 =	sadd.s32 $0x1, s19;
	s1 =	rddreg [dreg:$0x7]  }
0x1c: {  	p1 =	sne.s32 s19, s1  }
.Ltmp1:
0x1d: {  	_ = 	snop;
	(pc) =	sbr.rel @!p1 .LBB2_10-.Ltmp1, $3  }
0x1e: {  	_ =	sdelay $0x1  }
0x1f: {  	[sflag:s0] =	ssyncset.done @!p0 $0x0  }
0x20: {  	[sflag:s0] =	ssyncadd.s32 @!p0 $0xFFFFB400  }
.LBB2_1:
0x21: {  	s0 =	rddreg [dreg:$0x5]  }
.Ltmp2:
0x22: {  	s31 =	rddreg [dreg:$0x6];
	(pc) =	sbr.rel .LBB2_2-.Ltmp2, $4  }
0x23: {  	s20 =	smov.u32 s12;
	s21 =	smov.u32 s11;
	s22 =	smov.u32 s11  }
0x24: {  	[tilespmem:s4], [sflag:$0x1] =	stream.linear.gather [hbm4b:s0+s4], $0x2528, $0x38;
	[tilespmem:$0xE300] =	vst v63  }
0x25: {  	s23 =	smov.u32 s10;
	s24 =	smov.u32 s9;
	s25 =	simm.s32 $0x0  }
0x26: {  	[tilespmem:s13], [sflag:$0x2] =	stream.linear.gather [hbm4b:s31+s4], $0x2528, $0x38;
	[tilespmem:$0xE300] =	vst v63  }
.LBB2_8:
0x27: {  	s25 =	sadd.s32 $0x1, s25  }
0x28: {  	p1 =	sne.s32 s25, $0x19  }
.Ltmp3:
0x29: {  	_ = 	snop;
	(pc) =	sbr.rel @!p1 .LBB2_9-.Ltmp3, $3  }
0x2a: {  	_ =	sdelay $0x1  }
0x2b: {  	s24 =	sadd.s32 $0x200, s24;
	s23 =	sadd.s32 $0x76C00, s23  }
0x2c: {  	s22 =	sadd.s32 $0x200, s22;
	s21 =	sadd.s32 $0x200, s21;
	s20 =	sadd.s32 $0x76C00, s20  }
.LBB2_2:
0x2d: {  	s0 =	simm.s32 $0x0  }
0x2e: {  	s0 =	smulhi.u32 $0xAF286BCB, s0;
	_ =	sdelay $0x1  }
0x2f: {  	s1 =	ssub.s32 $0x0, s0  }
0x30: {  	s1 =	sshrl.u32 s1, $0x1  }
0x31: {  	s0 =	sadd.s32 s0, s1  }
0x32: {  	s7 =	smulhi.u32 $0x5254E78F, s24;
	s0 =	sshrl.u32 s0, $0x4  }
0x33: {  	s6 =	sadd.s32 s0, s24  }
0x34: {  	s1 =	sshrl.u32 s7, $0x6;
	s6 =	smulhi.u32 $0x5254E78F, s6  }
0x35: {  	s26 =	sshll.u32 s1, $0x1  }
0x36: {  	s1 =	smul.u32 $0x3B6, s1;
	s26 =	ssub.s32 $0x0, s26;
	s6 =	sshrl.u32 s6, $0x6  }
0x37: {  	s26 =	sand.u32 $0x6, s26;
	s6 =	smul.u32 $0x3B6, s6  }
0x38: {  	s0 =	smul.u32 $0x3A3, s0;
	s28 =	ssub.s32 s26, s1  }
0x39: {  	s1 =	sadd.s32 s6, s28  }
0x3a: {  	s0 =	sadd.s32 s0, s1  }
0x3b: {  	_ =	swait.ge [sflag:s14], $0x2528;
	s0 =	sadd.s32 $0x0, s0  }
0x3c: {  	p1 =	seq.s32 s25, $0x0;
	[sflag:s14] =	ssyncset.done $0x0;
	v7 =	vadd.s32 s0, v0  }
0x3d: {  	[sflag:s14] =	ssyncadd.s32 $0xFFFFDAD8;
	s1 =	simm.s32 @!p1 $0x3  }
0x3e: {  	_ =	swait.ge @!p1 [sflag:s1], $0x4C00  }
0x3f: {  	[sflag:s1] =	ssyncset.done @!p1 $0x0  }
0x40: {  	[sflag:s1] =	ssyncadd.s32 @!p1 $0xFFFFB400  }
0x41: {  	v7 =	vld.idx.msk [tilespmem:v7+s4+$0x0], $0xffff  }
0x42: {  	v8 =	vadd.s32 s0, v1;
	_ =	sdelay $0x2  }
0x43: {  	s29 =	simm.s32 $0x4B80  }
0x44: {  	[tilespmem:s29+$0xFFFFFF80] =	vst v7  }
0x45: {  	v7 =	vld.idx.msk [tilespmem:v8+s4+$0x0], $0xffff  }
0x46: {  	v8 =	vadd.s32 s0, v2;
	_ =	sdelay $0x3  }
0x47: {  	[tilespmem:s29+$0xFFFFFF90] =	vst v7  }
0x48: {  	v7 =	vld.idx.msk [tilespmem:v8+s4+$0x0], $0xffff  }
0x49: {  	v8 =	vadd.s32 s0, v3;
	_ =	sdelay $0x3  }
0x4a: {  	[tilespmem:s29+$0xFFFFFFA0] =	vst v7  }
0x4b: {  	v7 =	vld.idx.msk [tilespmem:v8+s4+$0x0], $0xffff  }
0x4c: {  	v8 =	vadd.s32 s0, v4;
	_ =	sdelay $0x1  }
0x4d: {  	s30 =	simm.s32 $0x1  }
0x4e: {  	s8 =	smulhi.u32 $0xAF286BCB, s30  }
0x4f: {  	[tilespmem:s29+$0xFFFFFFB0] =	vst v7  }
0x50: {  	s26 =	ssub.s32 $0x1, s8;
	v7 =	vld.idx.msk [tilespmem:v8+s4+$0x0], $0xffff  }
0x51: {  	s6 =	sshrl.u32 s26, $0x1;
	v8 =	vadd.s32 s0, v5  }
0x52: {  	s1 =	sadd.s32 s8, s6  }
0x53: {  	s1 =	sshrl.u32 s1, $0x4  }
0x54: {  	s7 =	sadd.s32 s1, s24  }
0x55: {  	s6 =	smulhi.u32 $0x5254E78F, s7;
	[tilespmem:s29+$0xFFFFFFC0] =	vst v7  }
0x56: {  	v7 =	vld.idx.msk [tilespmem:v8+s4+$0x0], $0xffff  }
0x57: {  	s26 =	sadd.s32 $0x1, s28;
	s8 =	sshrl.u32 s6, $0x6;
	v8 =	vadd.s32 s0, v6  }
0x58: {  	[dreg:$0x3] =	wrdreg s26;
	s0 =	smul.u32 $0x3B6, s8  }
0x59: {  	s26 =	rddreg [dreg:$0x3];
	s1 =	smul.u32 $0x3A3, s1  }
0x5a: {  	s0 =	sadd.s32 s0, s26  }
0x5b: {  	s0 =	sadd.s32 s1, s0;
	[tilespmem:s29+$0xFFFFFFD0] =	vst v7  }
0x5c: {  	s6 =	sadd.s32 $0x0, s0;
	v7 =	vld.idx.msk [tilespmem:v8+s4+$0x0], $0xffff  }
0x5d: {  	v8 =	vadd.s32 s6, v0;
	_ =	sdelay $0x3  }
0x5e: {  	[tilespmem:s29+$0xFFFFFFD4] =	vst v7  }
0x5f: {  	v7 =	vld.idx.msk [tilespmem:v8+s4+$0x0], $0xffff  }
0x60: {  	v8 =	vadd.s32 s6, v1;
	_ =	sdelay $0x3  }
0x61: {  	[tilespmem:s29+$0x0] =	vst v7  }
0x62: {  	v7 =	vld.idx.msk [tilespmem:v8+s4+$0x0], $0xffff  }
0x63: {  	v8 =	vadd.s32 s6, v2;
	_ =	sdelay $0x3  }
0x64: {  	[tilespmem:s29+$0x10] =	vst v7  }
0x65: {  	v7 =	vld.idx.msk [tilespmem:v8+s4+$0x0], $0xffff  }
0x66: {  	v8 =	vadd.s32 s6, v3;
	_ =	sdelay $0x2  }
0x67: {  	s1 =	smulhi.u32 $0x5254E78F, s22  }
0x68: {  	[tilespmem:s29+$0x20] =	vst v7  }
0x69: {  	s0 =	sshrl.u32 s1, $0x6;
	v7 =	vld.idx.msk [tilespmem:v8+s4+$0x0], $0xffff  }
0x6a: {  	s7 =	smul.u32 $0x3B6, s0;
	s0 =	sshll.u32 s0, $0x1;
	v8 =	vadd.s32 s6, v4  }
0x6b: {  	s0 =	ssub.s32 $0x0, s0  }
0x6c: {  	s1 =	sadd.s32 s7, s23;
	s0 =	sand.u32 $0x6, s0  }
0x6d: {  	s8 =	sshll.u32 s25, $0x6;
	s26 =	ssub.s32 s1, s0  }
0x6e: {  	s31 =	sor.u32 s3, s8;
	p2 =	slt.s32 s26, $0xB966D8;
	[tilespmem:s29+$0x30] =	vst v7  }
0x6f: {  	s1 =	sshll.u32 s31, $0x3;
	s0 =	simm.s32 $0x2;
	s26 =	simm.s32 @!p2 $0xB966D8;
	v7 =	vld.idx.msk [tilespmem:v8+s4+$0x0], $0xffff  }
.LBB2_3:
0x70: {  	s7 =	smulhi.u32 $0xAF286BCB, s0;
	_ =	sdelay $0x1  }
0x71: {  	s8 =	ssub.s32 s0, s7  }
0x72: {  	v8 =	vadd.s32 s6, v5;
	s8 =	sshrl.u32 s8, $0x1  }
0x73: {  	s7 =	sadd.s32 s7, s8  }
0x74: {  	s7 =	sshrl.u32 s7, $0x4  }
0x75: {  	s8 =	sadd.s32 s7, s24  }
0x76: {  	[tilespmem:s29+$0x40] =	vst v7;
	s8 =	smulhi.u32 $0x5254E78F, s8  }
0x77: {  	v7 =	vld.idx.msk [tilespmem:v8+s4+$0x0], $0xffff  }
0x78: {  	v8 =	vadd.s32 s6, v6;
	s8 =	sshrl.u32 s8, $0x6  }
0x79: {  	s6 =	smul.u32 $0x3B6, s8  }
0x7a: {  	s7 =	smul.u32 $0x3A3, s7  }
0x7b: {  	s6 =	sadd.s32 s6, s28  }
0x7c: {  	[tilespmem:s29+$0x50] =	vst v7;
	s6 =	sadd.s32 s7, s6  }
0x7d: {  	v7 =	vld.idx.msk [tilespmem:v8+s4+$0x0], $0xffff;
	s6 =	sadd.s32 s6, s0  }
0x7e: {  	v8 =	vadd.s32 s6, v0;
	_ =	sdelay $0x3  }
0x7f: {  	[tilespmem:s29+$0x54] =	vst v7  }
0x80: {  	v7 =	vld.idx.msk [tilespmem:v8+s4+$0x0], $0xffff  }
0x81: {  	v8 =	vadd.s32 s6, v1;
	_ =	sdelay $0x2  }
0x82: {  	s29 =	sadd.s32 $0x100, s29  }
0x83: {  	[tilespmem:s29+$0xFFFFFF80] =	vst v7  }
0x84: {  	v7 =	vld.idx.msk [tilespmem:v8+s4+$0x0], $0xffff  }
0x85: {  	v8 =	vadd.s32 s6, v2;
	_ =	sdelay $0x3  }
0x86: {  	[tilespmem:s29+$0xFFFFFF90] =	vst v7  }
0x87: {  	v7 =	vld.idx.msk [tilespmem:v8+s4+$0x0], $0xffff  }
0x88: {  	v8 =	vadd.s32 s6, v3;
	_ =	sdelay $0x3  }
0x89: {  	[tilespmem:s29+$0xFFFFFFA0] =	vst v7  }
0x8a: {  	v7 =	vld.idx.msk [tilespmem:v8+s4+$0x0], $0xffff  }
0x8b: {  	v8 =	vadd.s32 s6, v4;
	_ =	sdelay $0x1  }
0x8c: {  	s30 =	sadd.s32 $0x2, s30  }
0x8d: {  	s7 =	smulhi.u32 $0xAF286BCB, s30  }
0x8e: {  	[tilespmem:s29+$0xFFFFFFB0] =	vst v7  }
0x8f: {  	s8 =	ssub.s32 s30, s7;
	v7 =	vld.idx.msk [tilespmem:v8+s4+$0x0], $0xffff  }
0x90: {  	s8 =	sshrl.u32 s8, $0x1;
	v8 =	vadd.s32 s6, v5  }
0x91: {  	s7 =	sadd.s32 s7, s8  }
0x92: {  	s7 =	sshrl.u32 s7, $0x4  }
0x93: {  	s8 =	sadd.s32 s7, s24  }
0x94: {  	s8 =	smulhi.u32 $0x5254E78F, s8;
	[tilespmem:s29+$0xFFFFFFC0] =	vst v7  }
0x95: {  	v7 =	vld.idx.msk [tilespmem:v8+s4+$0x0], $0xffff  }
0x96: {  	v8 =	vadd.s32 s6, v6;
	s6 =	sshrl.u32 s8, $0x6  }
0x97: {  	s6 =	smul.u32 $0x3B6, s6  }
0x98: {  	s7 =	smul.u32 $0x3A3, s7;
	s8 =	rddreg [dreg:$0x3]  }
0x99: {  	s6 =	sadd.s32 s6, s8  }
0x9a: {  	s6 =	sadd.s32 s7, s6;
	[tilespmem:s29+$0xFFFFFFD0] =	vst v7  }
0x9b: {  	s6 =	sadd.s32 s6, s0;
	v7 =	vld.idx.msk [tilespmem:v8+s4+$0x0], $0xffff  }
0x9c: {  	v8 =	vadd.s32 s6, v0;
	_ =	sdelay $0x3  }
0x9d: {  	[tilespmem:s29+$0xFFFFFFD4] =	vst v7  }
0x9e: {  	v7 =	vld.idx.msk [tilespmem:v8+s4+$0x0], $0xffff  }
0x9f: {  	v8 =	vadd.s32 s6, v1;
	_ =	sdelay $0x3  }
0xa0: {  	[tilespmem:s29+$0x0] =	vst v7  }
0xa1: {  	v7 =	vld.idx.msk [tilespmem:v8+s4+$0x0], $0xffff  }
0xa2: {  	v8 =	vadd.s32 s6, v2;
	_ =	sdelay $0x3  }
0xa3: {  	[tilespmem:s29+$0x10] =	vst v7  }
0xa4: {  	v7 =	vld.idx.msk [tilespmem:v8+s4+$0x0], $0xffff  }
0xa5: {  	v8 =	vadd.s32 s6, v3;
	_ =	sdelay $0x3  }
0xa6: {  	[tilespmem:s29+$0x20] =	vst v7  }
0xa7: {  	v7 =	vld.idx.msk [tilespmem:v8+s4+$0x0], $0xffff  }
0xa8: {  	p2 =	slt.u32 s0, $0x96;
	v8 =	vadd.s32 s6, v4  }
.Ltmp4:
0xa9: {  	_ = 	snop;
	(pc) =	sbr.rel @p2 .LBB2_3-.Ltmp4, $3  }
0xaa: {  	_ =	sdelay $0x1  }
0xab: {  	[tilespmem:s29+$0x30] =	vst v7  }
0xac: {  	s0 =	sadd.s32 $0x2, s0;
	v7 =	vld.idx.msk [tilespmem:v8+s4+$0x0], $0xffff  }
0xad: {  	v8 =	vadd.s32 s6, v5;
	p2 =	sgt.u32 s31, $0x5F7  }
0xae: {  	s0 =	sadd.s32 @!p2 $0x200, s1  }
0xaf: {  	s1 =	smulhi.u32 @!p2 $0x5254E78F, s0;
	_ =	sdelay $0x1  }
0xb0: {  	[tilespmem:s29+$0x40] =	vst v7;
	s1 =	sshrl.u32 @!p2 s1, $0x6  }
0xb1: {  	v7 =	vld.idx.msk [tilespmem:v8+s4+$0x0], $0xffff;
	v8 =	vadd.s32 s6, v6;
	s6 =	smul.u32 @!p2 $0xFFFFFF39, s1;
	_ =	sdelay $0x1  }
0xb2: {  	s1 =	smul.u32 @!p2 $0x2E630, s1;
	s0 =	sadd.s32 @!p2 s0, s6  }
0xb3: {  	s0 =	smul.u32 @!p2 $0x3B6, s0;
	_ =	sdelay $0x1  }
0xb4: {  	[tilespmem:s29+$0x50] =	vst v7;
	s0 =	sadd.s32 @!p2 s1, s0  }
0xb5: {  	v7 =	vld.idx.msk [tilespmem:v8+s4+$0x0], $0xffff;
	s1 =	sshra.s32 @!p2 s0, $0x1F  }
0xb6: {  	s1 =	sshrl.u32 @!p2 s1, $0x1D  }
0xb7: {  	s0 =	sadd.s32 @!p2 s1, s0  }
0xb8: {  	s7 =	smul.u32 $0x980, s31;
	s0 =	sand.u32 @!p2 $0xFFFFFFF8, s0  }
0xb9: {  	p3 =	slt.s32 @!p2 s0, $0xB966D8  }
0xba: {  	s30 =	sadd.s32 s5, s7;
	[tilespmem:s29+$0x54] =	vst v7;
	p3 =	por !p3, p2  }
0xbb: {  	[hbm4b:s30+s4] =	stream.linear.scatter [tilespmem:s15], [sflag:$0x3], $0x4C00, $0x38;
	[tilespmem:$0xE300] =	vst v63  }
0xbc: {  	s0 =	simm.s32 @p3 $0xB966D8  }
0xbd: {  	s0 =	sshrl.u32 @!p2 s0, $0x3  }
0xbe: {  	s28 =	sor.u32 $0x20, s31;
	s1 =	simm.s32 @!p2 $0x0;
	s0 =	sadd.s32 @!p2 s2, s0  }
0xbf: {  	[tilespmem:s1], [sflag:$0x1] =	stream.linear.gather @!p2 [hbm4b:s0+s1], $0x2528, $0x38;
	[tilespmem:$0xE300] =	vst v63  }
0xc0: {  	p2 =	sgt.u32 s28, $0x637  }
.Ltmp5:
0xc1: {  	_ = 	snop;
	(pc) =	sbr.rel @p2 .LBB2_8-.Ltmp5, $1  }
0xc2: {  	_ =	sdelay $0x3  }
0xc3: {  	s0 =	simm.s32 $0x0  }
0xc4: {  	s0 =	smulhi.u32 $0xAF286BCB, s0;
	_ =	sdelay $0x1  }
0xc5: {  	s1 =	ssub.s32 $0x0, s0  }
0xc6: {  	s1 =	sshrl.u32 s1, $0x1  }
0xc7: {  	s0 =	sadd.s32 s0, s1  }
0xc8: {  	s0 =	sshrl.u32 s0, $0x4  }
0xc9: {  	s6 =	sadd.s32 s0, s21  }
0xca: {  	_ =	swait.ge [sflag:s16], $0x2528;
	s6 =	sand.u32 $0xFFFF, s6  }
0xcb: {  	[sflag:s16] =	ssyncset.done $0x0;
	s6 =	smulhi.u32 $0x149539F, s6  }
0xcc: {  	s7 =	ssub.s32 s23, s26;
	[sflag:s16] =	ssyncadd.s32 $0xFFFFDAD8;
	s1 =	simm.s32 @!p1 $0x4  }
0xcd: {  	_ =	swait.ge @!p1 [sflag:s1], $0x4C00;
	[dreg:$0x4] =	wrdreg s7;
	s6 =	smul.u32 $0x3B6, s6  }
0xce: {  	s7 =	rddreg [dreg:$0x4];
	s0 =	smul.u32 $0x3A3, s0  }
0xcf: {  	s6 =	sadd.s32 s6, s7  }
0xd0: {  	s0 =	sadd.s32 s0, s6  }
0xd1: {  	s0 =	sadd.s32 $0x0, s0  }
0xd2: {  	v7 =	vadd.s32 s0, v0;
	_ =	sdelay $0x2  }
0xd3: {  	[sflag:s1] =	ssyncset.done @!p1 $0x0  }
0xd4: {  	[sflag:s1] =	ssyncadd.s32 @!p1 $0xFFFFB400  }
0xd5: {  	v7 =	vld.idx.msk [tilespmem:v7+s13+$0x0], $0xffff  }
0xd6: {  	v8 =	vadd.s32 s0, v1;
	_ =	sdelay $0x2  }
0xd7: {  	s29 =	simm.s32 $0x9780  }
0xd8: {  	[tilespmem:s29+$0xFFFFFF80] =	vst v7  }
0xd9: {  	v7 =	vld.idx.msk [tilespmem:v8+s13+$0x0], $0xffff  }
0xda: {  	v8 =	vadd.s32 s0, v2;
	_ =	sdelay $0x3  }
0xdb: {  	[tilespmem:s29+$0xFFFFFF90] =	vst v7  }
0xdc: {  	v7 =	vld.idx.msk [tilespmem:v8+s13+$0x0], $0xffff  }
0xdd: {  	v8 =	vadd.s32 s0, v3;
	_ =	sdelay $0x3  }
0xde: {  	[tilespmem:s29+$0xFFFFFFA0] =	vst v7  }
0xdf: {  	v7 =	vld.idx.msk [tilespmem:v8+s13+$0x0], $0xffff  }
0xe0: {  	v8 =	vadd.s32 s0, v4;
	_ =	sdelay $0x1  }
0xe1: {  	s30 =	simm.s32 $0x1  }
0xe2: {  	s31 =	smulhi.u32 $0xAF286BCB, s30  }
0xe3: {  	[tilespmem:s29+$0xFFFFFFB0] =	vst v7  }
0xe4: {  	s7 =	ssub.s32 $0x1, s31;
	v7 =	vld.idx.msk [tilespmem:v8+s13+$0x0], $0xffff  }
0xe5: {  	s6 =	sshrl.u32 s7, $0x1;
	v8 =	vadd.s32 s0, v5  }
0xe6: {  	s1 =	sadd.s32 s31, s6  }
0xe7: {  	s1 =	sshrl.u32 s1, $0x4  }
0xe8: {  	s8 =	sadd.s32 s1, s21  }
0xe9: {  	s6 =	sand.u32 $0xFFFF, s8;
	[tilespmem:s29+$0xFFFFFFC0] =	vst v7  }
0xea: {  	s6 =	smulhi.u32 $0x149539F, s6;
	v7 =	vld.idx.msk [tilespmem:v8+s13+$0x0], $0xffff  }
0xeb: {  	v8 =	vadd.s32 s0, v6  }
0xec: {  	s31 =	smul.u32 $0x3B6, s6  }
0xed: {  	s26 =	ssub.s32 s20, s26;
	s1 =	smul.u32 $0x3A3, s1  }
0xee: {  	s0 =	sadd.s32 s31, s26  }
0xef: {  	s0 =	sadd.s32 s1, s0;
	[tilespmem:s29+$0xFFFFFFD0] =	vst v7  }
0xf0: {  	s6 =	sadd.s32 $0x0, s0;
	v7 =	vld.idx.msk [tilespmem:v8+s13+$0x0], $0xffff  }
0xf1: {  	v8 =	vadd.s32 s6, v0;
	_ =	sdelay $0x3  }
0xf2: {  	[tilespmem:s29+$0xFFFFFFD4] =	vst v7  }
0xf3: {  	v7 =	vld.idx.msk [tilespmem:v8+s13+$0x0], $0xffff  }
0xf4: {  	v8 =	vadd.s32 s6, v1;
	_ =	sdelay $0x3  }
0xf5: {  	[tilespmem:s29+$0x0] =	vst v7  }
0xf6: {  	v7 =	vld.idx.msk [tilespmem:v8+s13+$0x0], $0xffff  }
0xf7: {  	v8 =	vadd.s32 s6, v2;
	_ =	sdelay $0x3  }
0xf8: {  	[tilespmem:s29+$0x10] =	vst v7  }
0xf9: {  	v7 =	vld.idx.msk [tilespmem:v8+s13+$0x0], $0xffff  }
0xfa: {  	v8 =	vadd.s32 s6, v3;
	_ =	sdelay $0x3  }
0xfb: {  	[tilespmem:s29+$0x20] =	vst v7  }
0xfc: {  	v7 =	vld.idx.msk [tilespmem:v8+s13+$0x0], $0xffff  }
0xfd: {  	v8 =	vadd.s32 s6, v4;
	_ =	sdelay $0x3  }
0xfe: {  	[tilespmem:s29+$0x30] =	vst v7  }
0xff: {  	s1 =	sshll.u32 s28, $0x3;
	s0 =	simm.s32 $0x2;
	v7 =	vld.idx.msk [tilespmem:v8+s13+$0x0], $0xffff  }
.LBB2_6:
0x100: {  	s7 =	smulhi.u32 $0xAF286BCB, s0;
	_ =	sdelay $0x1  }
0x101: {  	s8 =	ssub.s32 s0, s7  }
0x102: {  	v8 =	vadd.s32 s6, v5;
	s8 =	sshrl.u32 s8, $0x1  }
0x103: {  	s7 =	sadd.s32 s7, s8  }
0x104: {  	s7 =	sshrl.u32 s7, $0x4  }
0x105: {  	s31 =	sadd.s32 s7, s21  }
0x106: {  	[tilespmem:s29+$0x40] =	vst v7;
	s8 =	sand.u32 $0xFFFF, s31  }
0x107: {  	v7 =	vld.idx.msk [tilespmem:v8+s13+$0x0], $0xffff;
	s8 =	smulhi.u32 $0x149539F, s8  }
0x108: {  	v8 =	vadd.s32 s6, v6  }
0x109: {  	s8 =	smul.u32 $0x3B6, s8  }
0x10a: {  	s7 =	smul.u32 $0x3A3, s7;
	s31 =	rddreg [dreg:$0x4]  }
0x10b: {  	s6 =	sadd.s32 s8, s31  }
0x10c: {  	[tilespmem:s29+$0x50] =	vst v7;
	s6 =	sadd.s32 s7, s6  }
0x10d: {  	v7 =	vld.idx.msk [tilespmem:v8+s13+$0x0], $0xffff;
	s6 =	sadd.s32 s6, s0  }
0x10e: {  	v8 =	vadd.s32 s6, v0;
	_ =	sdelay $0x3  }
0x10f: {  	[tilespmem:s29+$0x54] =	vst v7  }
0x110: {  	v7 =	vld.idx.msk [tilespmem:v8+s13+$0x0], $0xffff  }
0x111: {  	v8 =	vadd.s32 s6, v1;
	_ =	sdelay $0x2  }
0x112: {  	s29 =	sadd.s32 $0x100, s29  }
0x113: {  	[tilespmem:s29+$0xFFFFFF80] =	vst v7  }
0x114: {  	v7 =	vld.idx.msk [tilespmem:v8+s13+$0x0], $0xffff  }
0x115: {  	v8 =	vadd.s32 s6, v2;
	_ =	sdelay $0x3  }
0x116: {  	[tilespmem:s29+$0xFFFFFF90] =	vst v7  }
0x117: {  	v7 =	vld.idx.msk [tilespmem:v8+s13+$0x0], $0xffff  }
0x118: {  	v8 =	vadd.s32 s6, v3;
	_ =	sdelay $0x3  }
0x119: {  	[tilespmem:s29+$0xFFFFFFA0] =	vst v7  }
0x11a: {  	v7 =	vld.idx.msk [tilespmem:v8+s13+$0x0], $0xffff  }
0x11b: {  	v8 =	vadd.s32 s6, v4;
	_ =	sdelay $0x1  }
0x11c: {  	s30 =	sadd.s32 $0x2, s30  }
0x11d: {  	s7 =	smulhi.u32 $0xAF286BCB, s30  }
0x11e: {  	[tilespmem:s29+$0xFFFFFFB0] =	vst v7  }
0x11f: {  	s31 =	ssub.s32 s30, s7;
	v7 =	vld.idx.msk [tilespmem:v8+s13+$0x0], $0xffff  }
0x120: {  	s8 =	sshrl.u32 s31, $0x1;
	v8 =	vadd.s32 s6, v5  }
0x121: {  	s7 =	sadd.s32 s7, s8  }
0x122: {  	s7 =	sshrl.u32 s7, $0x4  }
0x123: {  	s31 =	sadd.s32 s7, s21  }
0x124: {  	s8 =	sand.u32 $0xFFFF, s31;
	[tilespmem:s29+$0xFFFFFFC0] =	vst v7  }
0x125: {  	s8 =	smulhi.u32 $0x149539F, s8;
	v7 =	vld.idx.msk [tilespmem:v8+s13+$0x0], $0xffff  }
0x126: {  	v8 =	vadd.s32 s6, v6  }
0x127: {  	s31 =	smul.u32 $0x3B6, s8  }
0x128: {  	s7 =	smul.u32 $0x3A3, s7  }
0x129: {  	s6 =	sadd.s32 s31, s26  }
0x12a: {  	s6 =	sadd.s32 s7, s6;
	[tilespmem:s29+$0xFFFFFFD0] =	vst v7  }
0x12b: {  	s6 =	sadd.s32 s6, s0;
	v7 =	vld.idx.msk [tilespmem:v8+s13+$0x0], $0xffff  }
0x12c: {  	v8 =	vadd.s32 s6, v0;
	_ =	sdelay $0x3  }
0x12d: {  	[tilespmem:s29+$0xFFFFFFD4] =	vst v7  }
0x12e: {  	v7 =	vld.idx.msk [tilespmem:v8+s13+$0x0], $0xffff  }
0x12f: {  	v8 =	vadd.s32 s6, v1;
	_ =	sdelay $0x3  }
0x130: {  	[tilespmem:s29+$0x0] =	vst v7  }
0x131: {  	v7 =	vld.idx.msk [tilespmem:v8+s13+$0x0], $0xffff  }
0x132: {  	v8 =	vadd.s32 s6, v2;
	_ =	sdelay $0x3  }
0x133: {  	[tilespmem:s29+$0x10] =	vst v7  }
0x134: {  	v7 =	vld.idx.msk [tilespmem:v8+s13+$0x0], $0xffff  }
0x135: {  	v8 =	vadd.s32 s6, v3;
	_ =	sdelay $0x3  }
0x136: {  	[tilespmem:s29+$0x20] =	vst v7  }
0x137: {  	v7 =	vld.idx.msk [tilespmem:v8+s13+$0x0], $0xffff  }
0x138: {  	p1 =	slt.u32 s0, $0x96;
	v8 =	vadd.s32 s6, v4  }
.Ltmp6:
0x139: {  	_ = 	snop;
	(pc) =	sbr.rel @p1 .LBB2_6-.Ltmp6, $3  }
0x13a: {  	_ =	sdelay $0x1  }
0x13b: {  	[tilespmem:s29+$0x30] =	vst v7  }
0x13c: {  	s0 =	sadd.s32 $0x2, s0;
	v7 =	vld.idx.msk [tilespmem:v8+s13+$0x0], $0xffff  }
0x13d: {  	v8 =	vadd.s32 s6, v5  }
0x13e: {  	p1 =	sgt.u32 s28, $0x5F7  }
0x13f: {  	s0 =	sadd.s32 @!p1 $0x200, s1  }
0x140: {  	s1 =	smul.u32 @!p1 $0x5255, s0  }
0x141: {  	[tilespmem:s29+$0x40] =	vst v7  }
0x142: {  	s1 =	sshrl.u32 @!p1 s1, $0x16;
	v7 =	vld.idx.msk [tilespmem:v8+s13+$0x0], $0xffff  }
0x143: {  	v8 =	vadd.s32 s6, v6;
	s6 =	smul.u32 @!p1 $0xFFFFFF39, s1;
	_ =	sdelay $0x1  }
0x144: {  	s1 =	smul.u32 @!p1 $0x2E630, s1;
	s0 =	sadd.s32 @!p1 s0, s6  }
0x145: {  	s0 =	smul.u32 @!p1 $0x3B6, s0  }
0x146: {  	[tilespmem:s29+$0x50] =	vst v7  }
0x147: {  	s0 =	sadd.s32 @!p1 s1, s0;
	v7 =	vld.idx.msk [tilespmem:v8+s13+$0x0], $0xffff  }
0x148: {  	s1 =	sshra.s32 @!p1 s0, $0x1F  }
0x149: {  	s1 =	sshrl.u32 @!p1 s1, $0x1D  }
0x14a: {  	s7 =	smul.u32 $0x980, s28;
	s0 =	sadd.s32 @!p1 s1, s0  }
0x14b: {  	s0 =	sand.u32 @!p1 $0xFFFFFFF8, s0  }
0x14c: {  	s31 =	sadd.s32 s5, s7;
	p2 =	slt.s32 @!p1 s0, $0xB966D8;
	[tilespmem:s29+$0x54] =	vst v7  }
0x14d: {  	[hbm4b:s31+s4] =	stream.linear.scatter [tilespmem:s17], [sflag:$0x4], $0x4C00, $0x38;
	[tilespmem:$0xE300] =	vst v63  }
.Ltmp7:
0x14e: {  	p2 =	por !p2, p1;
	(pc) =	sbr.rel .LBB2_8-.Ltmp7, $4  }
0x14f: {  	s0 =	simm.s32 @p2 $0xB966D8  }
0x150: {  	s0 =	sshrl.u32 @!p1 s0, $0x3  }
0x151: {  	s6 =	simm.s32 @!p1 $0x2580;
	s1 =	simm.s32 @!p1 $0x0;
	s0 =	sadd.s32 @!p1 s2, s0  }
0x152: {  	[tilespmem:s6], [sflag:$0x2] =	stream.linear.gather @!p1 [hbm4b:s0+s1], $0x2528, $0x38;
	[tilespmem:$0xE300] =	vst v63  }
.LBB2_10:
0x153: {  	_ =	sfence.sel $0x180000  }
0x154: {  	[bflag:$0x0] =	sbarrier.arrive $0xFFFF  }
0x155: {  	_ =	strace $0x90000047  }
0x156: {  	s0 =	stileid.u32;
	[bflag:$0x2] =	sbarrier.arrive $0xFFFF  }
0x157: {  	p0 =	sne.s32 s0, $0x0;
	s0 =	rddreg [dreg:$0x2]  }
0x158: {  	s0 =	sadd.s32 @!p0 $0x100000, s0  }
0x159: {  	[sflag:s0] =	ssyncadd.tile.s32 @!p0 $0x1;
	_ =	shalt  }
.Lfunc_end2:
_tile_overlayer_lowered:
.L_overlay_start_2:
0x15a: {  	(tag) =	ssettag $0x2  }
0x15b: {  	s0 =	rddreg [dreg:$0x0];
	s2 =	stileid.u32  }
0x15c: {  	s1 =	rddreg [dreg:$0x1];
	p0 =	sne.s32 s2, $0x0  }
0x15d: {  	s3 =	rddreg [dreg:$0x2];
	[bflag:$0x3] =	sbarrier.arrive $0xFFFF;
	s2 =	simm.s32 @!p0 $0x1C05  }
0x15e: {  	[timem:s3], [sflag:s2] =	dma.local @!p0 [hbm:s0], s1  }
0x15f: {  	s0 =	simm.s32 @!p0 $0x5  }
0x160: {  	_ =	swait.ge @!p0 [sflag:s0], s1  }
0x161: {  	s1 =	ssub.s32 @!p0 $0x0, s1;
	[sflag:s0] =	ssyncset.done @!p0 $0x0  }
0x162: {  	[sflag:s0] =	ssyncadd.s32 @!p0 s1  }
0x163: {  	[bflag:$0x3] =	sbarrier.arrive $0xFFFF  }
0x164: {  	_ =	shalt  }

</sc_bundles>
